<compile_context>
chip_gen: v7x
topology: tpu7x:2x2x1
jax: 0.10.2.dev20260603
libtpu: 0.0.44.dev20260713+nightly
codegen_flags: <defaults>
</compile_context>

<pallas_src>
import functools

import jax
import jax.numpy as jnp
from jax import lax
from jax.experimental import pallas as pl
from jax.experimental.pallas import tpu as pltpu
from jax.experimental.pallas import tpu_sc as plsc

BATCH = 16384
N_FIELDS = 26
D_EMB = 64
D_PAD = 2 * D_EMB
N_ROWS = BATCH * N_FIELDS

_NC = 2
_NS = 16
_NW = _NC * _NS
_ROWS_PER_W = N_ROWS // _NW
_CROWS = 416
_N_CHUNKS = _ROWS_PER_W // _CROWS

_mesh = plsc.VectorSubcoreMesh(core_axis_name="c", subcore_axis_name="s")


@functools.partial(
    pl.kernel,
    mesh=_mesh,
    out_type=jax.ShapeDtypeStruct((N_ROWS, D_PAD), jnp.float32),
    scratch_types=[
        pltpu.VMEM((_ROWS_PER_W,), jnp.int32),
        pltpu.VMEM((_CROWS, D_PAD), jnp.float32),
        pltpu.VMEM((_CROWS, D_PAD), jnp.float32),
        pltpu.SemaphoreType.DMA,
        pltpu.SemaphoreType.DMA,
        pltpu.SemaphoreType.DMA,
        pltpu.SemaphoreType.DMA,
    ],
    compiler_params=pltpu.CompilerParams(use_tc_tiling_on_sc=True),
)
def _gather_sc(idx_hbm, table_hbm, out_hbm, idx_v, rows0, rows1,
               gsem0, gsem1, osem0, osem1):
    wid = lax.axis_index("s") * _NC + lax.axis_index("c")
    base = wid * _ROWS_PER_W
    pltpu.sync_copy(idx_hbm.at[pl.ds(base, _ROWS_PER_W)], idx_v)

    rows = (rows0, rows1)
    gsem = (gsem0, gsem1)
    osem = (osem0, osem1)

    def gather_start(i):
        b = i % 2
        return pltpu.async_copy(
            table_hbm.at[idx_v.at[pl.ds(i * _CROWS, _CROWS)]], rows[b], gsem[b])

    def out_start(i):
        b = i % 2
        return pltpu.async_copy(
            rows[b], out_hbm.at[pl.ds(base + i * _CROWS, _CROWS)], osem[b])

    g = [None] * _N_CHUNKS
    o = [None] * _N_CHUNKS
    g[0] = gather_start(0)
    g[1] = gather_start(1)
    for i in range(_N_CHUNKS):
        g[i].wait()
        o[i] = out_start(i)
        if i + 2 < _N_CHUNKS:
            o[i].wait()
            g[i + 2] = gather_start(i + 2)
    o[_N_CHUNKS - 2].wait()
    o[_N_CHUNKS - 1].wait()


def kernel(idx, table):
    idx_fmaj = idx.astype(jnp.int32).T.reshape(-1)
    table128 = jnp.pad(table, ((0, 0), (0, D_PAD - D_EMB)))
    out = _gather_sc(idx_fmaj, table128)
    return out[:, :D_EMB].reshape(N_FIELDS, BATCH, D_EMB).transpose(1, 0, 2)

# --- scband reference (transcript-rebuilt; emitter-appended) ---
"""Pipeline reference for scband-model-90323162235310 (READ-ONLY COPY).

The authoritative reference and input builder live on the scoring server;
editing this copy changes nothing except your own understanding.
"""

import jax, jax.numpy as jnp
import numpy as np

N_EMB = 1000000
D_EMB = 64
BATCH = 16384
N_FIELDS = 26

def setup_inputs(seed: int = 0) -> dict:
    key = jax.random.key(seed)
    k_idx, k_tab = jax.random.split(key)
    idx = jax.random.randint(k_idx, (BATCH, N_FIELDS), 0, N_EMB, dtype=jnp.int64)
    table = jax.random.normal(k_tab, (N_EMB, D_EMB), dtype=jnp.float32)
    return {"idx": idx, "table": table}

def reference(idx, table):
    # Model.forward returns the embedding lookup output (mlp is not applied)
    embs = jnp.take(table, idx, axis=0)  # [BATCH, N_FIELDS, D_EMB]
    return embs

if __name__ == "__main__":
    import jax
    _d = setup_inputs()
    print(jax.jit(kernel)(*tuple(_d.values())))

</pallas_src>

<mosaic_0001>
#map = affine_map<(d0, d1) -> (0)>
#map1 = affine_map<(d0, d1) -> (0, 0)>
module attributes {stable_mosaic.version = 14 : i64} {
  func.func @_gather_sc(%arg0: i32, %arg1: i32, %arg2: memref<425984xi32, #tpu.memory_space<hbm>>, %arg3: memref<1000000x128xf32, #tpu.memory_space<hbm>>, %arg4: memref<425984x128xf32, #tpu.memory_space<hbm>>, %arg5: memref<13312xi32, #tpu.memory_space<vmem>>, %arg6: memref<416x128xf32, #tpu.memory_space<vmem>>, %arg7: memref<416x128xf32, #tpu.memory_space<vmem>>, %arg8: memref<!tpu.dma_semaphore, #tpu.memory_space<semaphore_mem>>, %arg9: memref<!tpu.dma_semaphore, #tpu.memory_space<semaphore_mem>>, %arg10: memref<!tpu.dma_semaphore, #tpu.memory_space<semaphore_mem>>, %arg11: memref<!tpu.dma_semaphore, #tpu.memory_space<semaphore_mem>>) attributes {dimension_semantics = [#tpu.dimension_semantics<core_parallel>, #tpu.dimension_semantics<subcore_parallel>], iteration_bounds = array<i64: 2, 16>, scalar_prefetch = 0 : i64, scratch_operands = 7 : i64, tpu.core_type = #tpu.core_type<sc_vector_subcore>, window_params = [{transform_indices = #map}, {transform_indices = #map1}, {transform_indices = #map1}]} {
    %mul3A = arith.constant 2 : i32
    %mul3A_0 = arith.muli %arg1, %mul3A : i32
    %add3A = arith.addi %mul3A_0, %arg0 : i32
    %mul3A_1 = arith.constant 13312 : i32
    %mul3A_2 = arith.muli %add3A, %mul3A_1 : i32
    "tpu.region"() ({
      %run_scoped3A = tpu.sem_alloc : memref<!tpu.dma_semaphore, #tpu.memory_space<semaphore_mem>>
      %dma_start3A_641 = tpu.memref_slice %arg2[%mul3A_2] : memref<425984xi32, #tpu.memory_space<hbm>> -> memref<13312xi32, #tpu.memory_space<hbm>>
      %dma_start3A_642 = tpu.memref_slice %arg2[%mul3A_2] : memref<425984xi32, #tpu.memory_space<hbm>> -> memref<13312xi32, #tpu.memory_space<hbm>>
      tpu.enqueue_dma source(%dma_start3A_642 : memref<13312xi32, #tpu.memory_space<hbm>>) target(%arg5 : memref<13312xi32, #tpu.memory_space<vmem>>) target_semaphore(%run_scoped3A : memref<!tpu.dma_semaphore, #tpu.memory_space<semaphore_mem>>)
      %dma_wait3A_643 = tpu.memref_slice %arg2[%mul3A_2] : memref<425984xi32, #tpu.memory_space<hbm>> -> memref<13312xi32, #tpu.memory_space<hbm>>
      %dma_wait3A_644 = tpu.memref_slice %arg2[%mul3A_2] : memref<425984xi32, #tpu.memory_space<hbm>> -> memref<13312xi32, #tpu.memory_space<hbm>>
      tpu.wait_dma2 semaphore(%run_scoped3A : memref<!tpu.dma_semaphore, #tpu.memory_space<semaphore_mem>>) src(%dma_wait3A_644 : memref<13312xi32, #tpu.memory_space<hbm>>) dst(%arg5 : memref<13312xi32, #tpu.memory_space<vmem>>)
      tpu.yield
    }) : () -> ()
    %dma_start3A = arith.constant 0 : i32
    %dma_start3A_3 = tpu.memref_slice %arg5[%dma_start3A] : memref<13312xi32, #tpu.memory_space<vmem>> -> memref<416xi32, #tpu.memory_space<vmem>>
    %dma_start3A_4 = arith.constant 0 : i32
    %dma_start3A_5 = arith.constant 0 : i32
    %dma_start3A_6 = tpu.memref_slice %arg3[%dma_start3A_4, %dma_start3A_5] : memref<1000000x128xf32, #tpu.memory_space<hbm>> -> memref<1000000x128xf32, #tpu.memory_space<hbm>>
    tpu.enqueue_indirect_dma source(%dma_start3A_6 : memref<1000000x128xf32, #tpu.memory_space<hbm>>) target(%arg6 : memref<416x128xf32, #tpu.memory_space<vmem>>) offsets(%dma_start3A_3 : memref<416xi32, #tpu.memory_space<vmem>>) semaphore(%arg8 : memref<!tpu.dma_semaphore, #tpu.memory_space<semaphore_mem>>)
    %dma_start3A_7 = arith.constant 416 : i32
    %dma_start3A_8 = tpu.memref_slice %arg5[%dma_start3A_7] : memref<13312xi32, #tpu.memory_space<vmem>> -> memref<416xi32, #tpu.memory_space<vmem>>
    %dma_start3A_9 = arith.constant 0 : i32
    %dma_start3A_10 = arith.constant 0 : i32
    %dma_start3A_11 = tpu.memref_slice %arg3[%dma_start3A_9, %dma_start3A_10] : memref<1000000x128xf32, #tpu.memory_space<hbm>> -> memref<1000000x128xf32, #tpu.memory_space<hbm>>
    tpu.enqueue_indirect_dma source(%dma_start3A_11 : memref<1000000x128xf32, #tpu.memory_space<hbm>>) target(%arg7 : memref<416x128xf32, #tpu.memory_space<vmem>>) offsets(%dma_start3A_8 : memref<416xi32, #tpu.memory_space<vmem>>) semaphore(%arg9 : memref<!tpu.dma_semaphore, #tpu.memory_space<semaphore_mem>>)
    %dma_wait3A = arith.constant 0 : i32
    %dma_wait3A_12 = tpu.memref_slice %arg5[%dma_wait3A] : memref<13312xi32, #tpu.memory_space<vmem>> -> memref<416xi32, #tpu.memory_space<vmem>>
    %dma_wait3A_13 = arith.constant 0 : i32
    %dma_wait3A_14 = arith.constant 0 : i32
    %dma_wait3A_15 = tpu.memref_slice %arg3[%dma_wait3A_13, %dma_wait3A_14] : memref<1000000x128xf32, #tpu.memory_space<hbm>> -> memref<1000000x128xf32, #tpu.memory_space<hbm>>
    tpu.wait_indirect_dma semaphore(%arg8 : memref<!tpu.dma_semaphore, #tpu.memory_space<semaphore_mem>>) src(%dma_wait3A_15 : memref<1000000x128xf32, #tpu.memory_space<hbm>>) dst(%arg6 : memref<416x128xf32, #tpu.memory_space<vmem>>)
    %add3A_16 = arith.constant 0 : i32
    %add3A_17 = arith.addi %mul3A_2, %add3A_16 : i32
    %dma_start3A_18 = arith.constant 0 : i32
    %dma_start3A_19 = tpu.memref_slice %arg4[%add3A_17, %dma_start3A_18] : memref<425984x128xf32, #tpu.memory_space<hbm>> -> memref<416x128xf32, #tpu.memory_space<hbm>>
    %dma_start3A_20 = arith.constant 0 : i32
    %dma_start3A_21 = tpu.memref_slice %arg4[%add3A_17, %dma_start3A_20] : memref<425984x128xf32, #tpu.memory_space<hbm>> -> memref<416x128xf32, #tpu.memory_space<hbm>>
    tpu.enqueue_dma source(%arg6 : memref<416x128xf32, #tpu.memory_space<vmem>>) target(%dma_start3A_21 : memref<416x128xf32, #tpu.memory_space<hbm>>) target_semaphore(%arg10 : memref<!tpu.dma_semaphore, #tpu.memory_space<semaphore_mem>>)
    %dma_wait3A_22 = arith.constant 0 : i32
    %dma_wait3A_23 = tpu.memref_slice %arg4[%add3A_17, %dma_wait3A_22] : memref<425984x128xf32, #tpu.memory_space<hbm>> -> memref<416x128xf32, #tpu.memory_space<hbm>>
    %dma_wait3A_24 = arith.constant 0 : i32
    %dma_wait3A_25 = tpu.memref_slice %arg4[%add3A_17, %dma_wait3A_24] : memref<425984x128xf32, #tpu.memory_space<hbm>> -> memref<416x128xf32, #tpu.memory_space<hbm>>
    tpu.wait_dma2 semaphore(%arg10 : memref<!tpu.dma_semaphore, #tpu.memory_space<semaphore_mem>>) src(%arg6 : memref<416x128xf32, #tpu.memory_space<vmem>>) dst(%dma_wait3A_25 : memref<416x128xf32, #tpu.memory_space<hbm>>)
    %dma_start3A_26 = arith.constant 832 : i32
    %dma_start3A_27 = tpu.memref_slice %arg5[%dma_start3A_26] : memref<13312xi32, #tpu.memory_space<vmem>> -> memref<416xi32, #tpu.memory_space<vmem>>
    %dma_start3A_28 = arith.constant 0 : i32
    %dma_start3A_29 = arith.constant 0 : i32
    %dma_start3A_30 = tpu.memref_slice %arg3[%dma_start3A_28, %dma_start3A_29] : memref<1000000x128xf32, #tpu.memory_space<hbm>> -> memref<1000000x128xf32, #tpu.memory_space<hbm>>
    tpu.enqueue_indirect_dma source(%dma_start3A_30 : memref<1000000x128xf32, #tpu.memory_space<hbm>>) target(%arg6 : memref<416x128xf32, #tpu.memory_space<vmem>>) offsets(%dma_start3A_27 : memref<416xi32, #tpu.memory_space<vmem>>) semaphore(%arg8 : memref<!tpu.dma_semaphore, #tpu.memory_space<semaphore_mem>>)
    %dma_wait3A_31 = arith.constant 416 : i32
    %dma_wait3A_32 = tpu.memref_slice %arg5[%dma_wait3A_31] : memref<13312xi32, #tpu.memory_space<vmem>> -> memref<416xi32, #tpu.memory_space<vmem>>
    %dma_wait3A_33 = arith.constant 0 : i32
    %dma_wait3A_34 = arith.constant 0 : i32
    %dma_wait3A_35 = tpu.memref_slice %arg3[%dma_wait3A_33, %dma_wait3A_34] : memref<1000000x128xf32, #tpu.memory_space<hbm>> -> memref<1000000x128xf32, #tpu.memory_space<hbm>>
    tpu.wait_indirect_dma semaphore(%arg9 : memref<!tpu.dma_semaphore, #tpu.memory_space<semaphore_mem>>) src(%dma_wait3A_35 : memref<1000000x128xf32, #tpu.memory_space<hbm>>) dst(%arg7 : memref<416x128xf32, #tpu.memory_space<vmem>>)
    %add3A_36 = arith.constant 416 : i32
    %add3A_37 = arith.addi %mul3A_2, %add3A_36 : i32
    %dma_start3A_38 = arith.constant 0 : i32
    %dma_start3A_39 = tpu.memref_slice %arg4[%add3A_37, %dma_start3A_38] : memref<425984x128xf32, #tpu.memory_space<hbm>> -> memref<416x128xf32, #tpu.memory_space<hbm>>
    %dma_start3A_40 = arith.constant 0 : i32
    %dma_start3A_41 = tpu.memref_slice %arg4[%add3A_37, %dma_start3A_40] : memref<425984x128xf32, #tpu.memory_space<hbm>> -> memref<416x128xf32, #tpu.memory_space<hbm>>
    tpu.enqueue_dma source(%arg7 : memref<416x128xf32, #tpu.memory_space<vmem>>) target(%dma_start3A_41 : memref<416x128xf32, #tpu.memory_space<hbm>>) target_semaphore(%arg11 : memref<!tpu.dma_semaphore, #tpu.memory_space<semaphore_mem>>)
    %dma_wait3A_42 = arith.constant 0 : i32
    %dma_wait3A_43 = tpu.memref_slice %arg4[%add3A_37, %dma_wait3A_42] : memref<425984x128xf32, #tpu.memory_space<hbm>> -> memref<416x128xf32, #tpu.memory_space<hbm>>
    %dma_wait3A_44 = arith.constant 0 : i32
    %dma_wait3A_45 = tpu.memref_slice %arg4[%add3A_37, %dma_wait3A_44] : memref<425984x128xf32, #tpu.memory_space<hbm>> -> memref<416x128xf32, #tpu.memory_space<hbm>>
    tpu.wait_dma2 semaphore(%arg11 : memref<!tpu.dma_semaphore, #tpu.memory_space<semaphore_mem>>) src(%arg7 : memref<416x128xf32, #tpu.memory_space<vmem>>) dst(%dma_wait3A_45 : memref<416x128xf32, #tpu.memory_space<hbm>>)
    %dma_start3A_46 = arith.constant 1248 : i32
    %dma_start3A_47 = tpu.memref_slice %arg5[%dma_start3A_46] : memref<13312xi32, #tpu.memory_space<vmem>> -> memref<416xi32, #tpu.memory_space<vmem>>
    %dma_start3A_48 = arith.constant 0 : i32
    %dma_start3A_49 = arith.constant 0 : i32
    %dma_start3A_50 = tpu.memref_slice %arg3[%dma_start3A_48, %dma_start3A_49] : memref<1000000x128xf32, #tpu.memory_space<hbm>> -> memref<1000000x128xf32, #tpu.memory_space<hbm>>
    tpu.enqueue_indirect_dma source(%dma_start3A_50 : memref<1000000x128xf32, #tpu.memory_space<hbm>>) target(%arg7 : memref<416x128xf32, #tpu.memory_space<vmem>>) offsets(%dma_start3A_47 : memref<416xi32, #tpu.memory_space<vmem>>) semaphore(%arg9 : memref<!tpu.dma_semaphore, #tpu.memory_space<semaphore_mem>>)
    %dma_wait3A_51 = arith.constant 832 : i32
    %dma_wait3A_52 = tpu.memref_slice %arg5[%dma_wait3A_51] : memref<13312xi32, #tpu.memory_space<vmem>> -> memref<416xi32, #tpu.memory_space<vmem>>
    %dma_wait3A_53 = arith.constant 0 : i32
    %dma_wait3A_54 = arith.constant 0 : i32
    %dma_wait3A_55 = tpu.memref_slice %arg3[%dma_wait3A_53, %dma_wait3A_54] : memref<1000000x128xf32, #tpu.memory_space<hbm>> -> memref<1000000x128xf32, #tpu.memory_space<hbm>>
    tpu.wait_indirect_dma semaphore(%arg8 : memref<!tpu.dma_semaphore, #tpu.memory_space<semaphore_mem>>) src(%dma_wait3A_55 : memref<1000000x128xf32, #tpu.memory_space<hbm>>) dst(%arg6 : memref<416x128xf32, #tpu.memory_space<vmem>>)
    %add3A_56 = arith.constant 832 : i32
    %add3A_57 = arith.addi %mul3A_2, %add3A_56 : i32
    %dma_start3A_58 = arith.constant 0 : i32
    %dma_start3A_59 = tpu.memref_slice %arg4[%add3A_57, %dma_start3A_58] : memref<425984x128xf32, #tpu.memory_space<hbm>> -> memref<416x128xf32, #tpu.memory_space<hbm>>
    %dma_start3A_60 = arith.constant 0 : i32
    %dma_start3A_61 = tpu.memref_slice %arg4[%add3A_57, %dma_start3A_60] : memref<425984x128xf32, #tpu.memory_space<hbm>> -> memref<416x128xf32, #tpu.memory_space<hbm>>
    tpu.enqueue_dma source(%arg6 : memref<416x128xf32, #tpu.memory_space<vmem>>) target(%dma_start3A_61 : memref<416x128xf32, #tpu.memory_space<hbm>>) target_semaphore(%arg10 : memref<!tpu.dma_semaphore, #tpu.memory_space<semaphore_mem>>)
    %dma_wait3A_62 = arith.constant 0 : i32
    %dma_wait3A_63 = tpu.memref_slice %arg4[%add3A_57, %dma_wait3A_62] : memref<425984x128xf32, #tpu.memory_space<hbm>> -> memref<416x128xf32, #tpu.memory_space<hbm>>
    %dma_wait3A_64 = arith.constant 0 : i32
    %dma_wait3A_65 = tpu.memref_slice %arg4[%add3A_57, %dma_wait3A_64] : memref<425984x128xf32, #tpu.memory_space<hbm>> -> memref<416x128xf32, #tpu.memory_space<hbm>>
    tpu.wait_dma2 semaphore(%arg10 : memref<!tpu.dma_semaphore, #tpu.memory_space<semaphore_mem>>) src(%arg6 : memref<416x128xf32, #tpu.memory_space<vmem>>) dst(%dma_wait3A_65 : memref<416x128xf32, #tpu.memory_space<hbm>>)
    %dma_start3A_66 = arith.constant 1664 : i32
    %dma_start3A_67 = tpu.memref_slice %arg5[%dma_start3A_66] : memref<13312xi32, #tpu.memory_space<vmem>> -> memref<416xi32, #tpu.memory_space<vmem>>
    %dma_start3A_68 = arith.constant 0 : i32
    %dma_start3A_69 = arith.constant 0 : i32
    %dma_start3A_70 = tpu.memref_slice %arg3[%dma_start3A_68, %dma_start3A_69] : memref<1000000x128xf32, #tpu.memory_space<hbm>> -> memref<1000000x128xf32, #tpu.memory_space<hbm>>
    tpu.enqueue_indirect_dma source(%dma_start3A_70 : memref<1000000x128xf32, #tpu.memory_space<hbm>>) target(%arg6 : memref<416x128xf32, #tpu.memory_space<vmem>>) offsets(%dma_start3A_67 : memref<416xi32, #tpu.memory_space<vmem>>) semaphore(%arg8 : memref<!tpu.dma_semaphore, #tpu.memory_space<semaphore_mem>>)
    %dma_wait3A_71 = arith.constant 1248 : i32
    %dma_wait3A_72 = tpu.memref_slice %arg5[%dma_wait3A_71] : memref<13312xi32, #tpu.memory_space<vmem>> -> memref<416xi32, #tpu.memory_space<vmem>>
    %dma_wait3A_73 = arith.constant 0 : i32
    %dma_wait3A_74 = arith.constant 0 : i32
    %dma_wait3A_75 = tpu.memref_slice %arg3[%dma_wait3A_73, %dma_wait3A_74] : memref<1000000x128xf32, #tpu.memory_space<hbm>> -> memref<1000000x128xf32, #tpu.memory_space<hbm>>
    tpu.wait_indirect_dma semaphore(%arg9 : memref<!tpu.dma_semaphore, #tpu.memory_space<semaphore_mem>>) src(%dma_wait3A_75 : memref<1000000x128xf32, #tpu.memory_space<hbm>>) dst(%arg7 : memref<416x128xf32, #tpu.memory_space<vmem>>)
    %add3A_76 = arith.constant 1248 : i32
    %add3A_77 = arith.addi %mul3A_2, %add3A_76 : i32
    %dma_start3A_78 = arith.constant 0 : i32
    %dma_start3A_79 = tpu.memref_slice %arg4[%add3A_77, %dma_start3A_78] : memref<425984x128xf32, #tpu.memory_space<hbm>> -> memref<416x128xf32, #tpu.memory_space<hbm>>
    %dma_start3A_80 = arith.constant 0 : i32
    %dma_start3A_81 = tpu.memref_slice %arg4[%add3A_77, %dma_start3A_80] : memref<425984x128xf32, #tpu.memory_space<hbm>> -> memref<416x128xf32, #tpu.memory_space<hbm>>
    tpu.enqueue_dma source(%arg7 : memref<416x128xf32, #tpu.memory_space<vmem>>) target(%dma_start3A_81 : memref<416x128xf32, #tpu.memory_space<hbm>>) target_semaphore(%arg11 : memref<!tpu.dma_semaphore, #tpu.memory_space<semaphore_mem>>)
    %dma_wait3A_82 = arith.constant 0 : i32
    %dma_wait3A_83 = tpu.memref_slice %arg4[%add3A_77, %dma_wait3A_82] : memref<425984x128xf32, #tpu.memory_space<hbm>> -> memref<416x128xf32, #tpu.memory_space<hbm>>
    %dma_wait3A_84 = arith.constant 0 : i32
    %dma_wait3A_85 = tpu.memref_slice %arg4[%add3A_77, %dma_wait3A_84] : memref<425984x128xf32, #tpu.memory_space<hbm>> -> memref<416x128xf32, #tpu.memory_space<hbm>>
    tpu.wait_dma2 semaphore(%arg11 : memref<!tpu.dma_semaphore, #tpu.memory_space<semaphore_mem>>) src(%arg7 : memref<416x128xf32, #tpu.memory_space<vmem>>) dst(%dma_wait3A_85 : memref<416x128xf32, #tpu.memory_space<hbm>>)
    %dma_start3A_86 = arith.constant 2080 : i32
    %dma_start3A_87 = tpu.memref_slice %arg5[%dma_start3A_86] : memref<13312xi32, #tpu.memory_space<vmem>> -> memref<416xi32, #tpu.memory_space<vmem>>
    %dma_start3A_88 = arith.constant 0 : i32
    %dma_start3A_89 = arith.constant 0 : i32
    %dma_start3A_90 = tpu.memref_slice %arg3[%dma_start3A_88, %dma_start3A_89] : memref<1000000x128xf32, #tpu.memory_space<hbm>> -> memref<1000000x128xf32, #tpu.memory_space<hbm>>
    tpu.enqueue_indirect_dma source(%dma_start3A_90 : memref<1000000x128xf32, #tpu.memory_space<hbm>>) target(%arg7 : memref<416x128xf32, #tpu.memory_space<vmem>>) offsets(%dma_start3A_87 : memref<416xi32, #tpu.memory_space<vmem>>) semaphore(%arg9 : memref<!tpu.dma_semaphore, #tpu.memory_space<semaphore_mem>>)
    %dma_wait3A_91 = arith.constant 1664 : i32
    %dma_wait3A_92 = tpu.memref_slice %arg5[%dma_wait3A_91] : memref<13312xi32, #tpu.memory_space<vmem>> -> memref<416xi32, #tpu.memory_space<vmem>>
    %dma_wait3A_93 = arith.constant 0 : i32
    %dma_wait3A_94 = arith.constant 0 : i32
    %dma_wait3A_95 = tpu.memref_slice %arg3[%dma_wait3A_93, %dma_wait3A_94] : memref<1000000x128xf32, #tpu.memory_space<hbm>> -> memref<1000000x128xf32, #tpu.memory_space<hbm>>
    tpu.wait_indirect_dma semaphore(%arg8 : memref<!tpu.dma_semaphore, #tpu.memory_space<semaphore_mem>>) src(%dma_wait3A_95 : memref<1000000x128xf32, #tpu.memory_space<hbm>>) dst(%arg6 : memref<416x128xf32, #tpu.memory_space<vmem>>)
    %add3A_96 = arith.constant 1664 : i32
    %add3A_97 = arith.addi %mul3A_2, %add3A_96 : i32
    %dma_start3A_98 = arith.constant 0 : i32
    %dma_start3A_99 = tpu.memref_slice %arg4[%add3A_97, %dma_start3A_98] : memref<425984x128xf32, #tpu.memory_space<hbm>> -> memref<416x128xf32, #tpu.memory_space<hbm>>
    %dma_start3A_100 = arith.constant 0 : i32
    %dma_start3A_101 = tpu.memref_slice %arg4[%add3A_97, %dma_start3A_100] : memref<425984x128xf32, #tpu.memory_space<hbm>> -> memref<416x128xf32, #tpu.memory_space<hbm>>
    tpu.enqueue_dma source(%arg6 : memref<416x128xf32, #tpu.memory_space<vmem>>) target(%dma_start3A_101 : memref<416x128xf32, #tpu.memory_space<hbm>>) target_semaphore(%arg10 : memref<!tpu.dma_semaphore, #tpu.memory_space<semaphore_mem>>)
    %dma_wait3A_102 = arith.constant 0 : i32
    %dma_wait3A_103 = tpu.memref_slice %arg4[%add3A_97, %dma_wait3A_102] : memref<425984x128xf32, #tpu.memory_space<hbm>> -> memref<416x128xf32, #tpu.memory_space<hbm>>
    %dma_wait3A_104 = arith.constant 0 : i32
    %dma_wait3A_105 = tpu.memref_slice %arg4[%add3A_97, %dma_wait3A_104] : memref<425984x128xf32, #tpu.memory_space<hbm>> -> memref<416x128xf32, #tpu.memory_space<hbm>>
    tpu.wait_dma2 semaphore(%arg10 : memref<!tpu.dma_semaphore, #tpu.memory_space<semaphore_mem>>) src(%arg6 : memref<416x128xf32, #tpu.memory_space<vmem>>) dst(%dma_wait3A_105 : memref<416x128xf32, #tpu.memory_space<hbm>>)
    %dma_start3A_106 = arith.constant 2496 : i32
    %dma_start3A_107 = tpu.memref_slice %arg5[%dma_start3A_106] : memref<13312xi32, #tpu.memory_space<vmem>> -> memref<416xi32, #tpu.memory_space<vmem>>
    %dma_start3A_108 = arith.constant 0 : i32
    %dma_start3A_109 = arith.constant 0 : i32
    %dma_start3A_110 = tpu.memref_slice %arg3[%dma_start3A_108, %dma_start3A_109] : memref<1000000x128xf32, #tpu.memory_space<hbm>> -> memref<1000000x128xf32, #tpu.memory_space<hbm>>
    tpu.enqueue_indirect_dma source(%dma_start3A_110 : memref<1000000x128xf32, #tpu.memory_space<hbm>>) target(%arg6 : memref<416x128xf32, #tpu.memory_space<vmem>>) offsets(%dma_start3A_107 : memref<416xi32, #tpu.memory_space<vmem>>) semaphore(%arg8 : memref<!tpu.dma_semaphore, #tpu.memory_space<semaphore_mem>>)
    %dma_wait3A_111 = arith.constant 2080 : i32
    %dma_wait3A_112 = tpu.memref_slice %arg5[%dma_wait3A_111] : memref<13312xi32, #tpu.memory_space<vmem>> -> memref<416xi32, #tpu.memory_space<vmem>>
    %dma_wait3A_113 = arith.constant 0 : i32
    %dma_wait3A_114 = arith.constant 0 : i32
    %dma_wait3A_115 = tpu.memref_slice %arg3[%dma_wait3A_113, %dma_wait3A_114] : memref<1000000x128xf32, #tpu.memory_space<hbm>> -> memref<1000000x128xf32, #tpu.memory_space<hbm>>
    tpu.wait_indirect_dma semaphore(%arg9 : memref<!tpu.dma_semaphore, #tpu.memory_space<semaphore_mem>>) src(%dma_wait3A_115 : memref<1000000x128xf32, #tpu.memory_space<hbm>>) dst(%arg7 : memref<416x128xf32, #tpu.memory_space<vmem>>)
    %add3A_116 = arith.constant 2080 : i32
    %add3A_117 = arith.addi %mul3A_2, %add3A_116 : i32
    %dma_start3A_118 = arith.constant 0 : i32
    %dma_start3A_119 = tpu.memref_slice %arg4[%add3A_117, %dma_start3A_118] : memref<425984x128xf32, #tpu.memory_space<hbm>> -> memref<416x128xf32, #tpu.memory_space<hbm>>
    %dma_start3A_120 = arith.constant 0 : i32
    %dma_start3A_121 = tpu.memref_slice %arg4[%add3A_117, %dma_start3A_120] : memref<425984x128xf32, #tpu.memory_space<hbm>> -> memref<416x128xf32, #tpu.memory_space<hbm>>
    tpu.enqueue_dma source(%arg7 : memref<416x128xf32, #tpu.memory_space<vmem>>) target(%dma_start3A_121 : memref<416x128xf32, #tpu.memory_space<hbm>>) target_semaphore(%arg11 : memref<!tpu.dma_semaphore, #tpu.memory_space<semaphore_mem>>)
    %dma_wait3A_122 = arith.constant 0 : i32
    %dma_wait3A_123 = tpu.memref_slice %arg4[%add3A_117, %dma_wait3A_122] : memref<425984x128xf32, #tpu.memory_space<hbm>> -> memref<416x128xf32, #tpu.memory_space<hbm>>
    %dma_wait3A_124 = arith.constant 0 : i32
    %dma_wait3A_125 = tpu.memref_slice %arg4[%add3A_117, %dma_wait3A_124] : memref<425984x128xf32, #tpu.memory_space<hbm>> -> memref<416x128xf32, #tpu.memory_space<hbm>>
    tpu.wait_dma2 semaphore(%arg11 : memref<!tpu.dma_semaphore, #tpu.memory_space<semaphore_mem>>) src(%arg7 : memref<416x128xf32, #tpu.memory_space<vmem>>) dst(%dma_wait3A_125 : memref<416x128xf32, #tpu.memory_space<hbm>>)
    %dma_start3A_126 = arith.constant 2912 : i32
    %dma_start3A_127 = tpu.memref_slice %arg5[%dma_start3A_126] : memref<13312xi32, #tpu.memory_space<vmem>> -> memref<416xi32, #tpu.memory_space<vmem>>
    %dma_start3A_128 = arith.constant 0 : i32
    %dma_start3A_129 = arith.constant 0 : i32
    %dma_start3A_130 = tpu.memref_slice %arg3[%dma_start3A_128, %dma_start3A_129] : memref<1000000x128xf32, #tpu.memory_space<hbm>> -> memref<1000000x128xf32, #tpu.memory_space<hbm>>
    tpu.enqueue_indirect_dma source(%dma_start3A_130 : memref<1000000x128xf32, #tpu.memory_space<hbm>>) target(%arg7 : memref<416x128xf32, #tpu.memory_space<vmem>>) offsets(%dma_start3A_127 : memref<416xi32, #tpu.memory_space<vmem>>) semaphore(%arg9 : memref<!tpu.dma_semaphore, #tpu.memory_space<semaphore_mem>>)
    %dma_wait3A_131 = arith.constant 2496 : i32
    %dma_wait3A_132 = tpu.memref_slice %arg5[%dma_wait3A_131] : memref<13312xi32, #tpu.memory_space<vmem>> -> memref<416xi32, #tpu.memory_space<vmem>>
    %dma_wait3A_133 = arith.constant 0 : i32
    %dma_wait3A_134 = arith.constant 0 : i32
    %dma_wait3A_135 = tpu.memref_slice %arg3[%dma_wait3A_133, %dma_wait3A_134] : memref<1000000x128xf32, #tpu.memory_space<hbm>> -> memref<1000000x128xf32, #tpu.memory_space<hbm>>
    tpu.wait_indirect_dma semaphore(%arg8 : memref<!tpu.dma_semaphore, #tpu.memory_space<semaphore_mem>>) src(%dma_wait3A_135 : memref<1000000x128xf32, #tpu.memory_space<hbm>>) dst(%arg6 : memref<416x128xf32, #tpu.memory_space<vmem>>)
    %add3A_136 = arith.constant 2496 : i32
    %add3A_137 = arith.addi %mul3A_2, %add3A_136 : i32
    %dma_start3A_138 = arith.constant 0 : i32
    %dma_start3A_139 = tpu.memref_slice %arg4[%add3A_137, %dma_start3A_138] : memref<425984x128xf32, #tpu.memory_space<hbm>> -> memref<416x128xf32, #tpu.memory_space<hbm>>
    %dma_start3A_140 = arith.constant 0 : i32
    %dma_start3A_141 = tpu.memref_slice %arg4[%add3A_137, %dma_start3A_140] : memref<425984x128xf32, #tpu.memory_space<hbm>> -> memref<416x128xf32, #tpu.memory_space<hbm>>
    tpu.enqueue_dma source(%arg6 : memref<416x128xf32, #tpu.memory_space<vmem>>) target(%dma_start3A_141 : memref<416x128xf32, #tpu.memory_space<hbm>>) target_semaphore(%arg10 : memref<!tpu.dma_semaphore, #tpu.memory_space<semaphore_mem>>)
    %dma_wait3A_142 = arith.constant 0 : i32
    %dma_wait3A_143 = tpu.memref_slice %arg4[%add3A_137, %dma_wait3A_142] : memref<425984x128xf32, #tpu.memory_space<hbm>> -> memref<416x128xf32, #tpu.memory_space<hbm>>
    %dma_wait3A_144 = arith.constant 0 : i32
    %dma_wait3A_145 = tpu.memref_slice %arg4[%add3A_137, %dma_wait3A_144] : memref<425984x128xf32, #tpu.memory_space<hbm>> -> memref<416x128xf32, #tpu.memory_space<hbm>>
    tpu.wait_dma2 semaphore(%arg10 : memref<!tpu.dma_semaphore, #tpu.memory_space<semaphore_mem>>) src(%arg6 : memref<416x128xf32, #tpu.memory_space<vmem>>) dst(%dma_wait3A_145 : memref<416x128xf32, #tpu.memory_space<hbm>>)
    %dma_start3A_146 = arith.constant 3328 : i32
    %dma_start3A_147 = tpu.memref_slice %arg5[%dma_start3A_146] : memref<13312xi32, #tpu.memory_space<vmem>> -> memref<416xi32, #tpu.memory_space<vmem>>
    %dma_start3A_148 = arith.constant 0 : i32
    %dma_start3A_149 = arith.constant 0 : i32
    %dma_start3A_150 = tpu.memref_slice %arg3[%dma_start3A_148, %dma_start3A_149] : memref<1000000x128xf32, #tpu.memory_space<hbm>> -> memref<1000000x128xf32, #tpu.memory_space<hbm>>
    tpu.enqueue_indirect_dma source(%dma_start3A_150 : memref<1000000x128xf32, #tpu.memory_space<hbm>>) target(%arg6 : memref<416x128xf32, #tpu.memory_space<vmem>>) offsets(%dma_start3A_147 : memref<416xi32, #tpu.memory_space<vmem>>) semaphore(%arg8 : memref<!tpu.dma_semaphore, #tpu.memory_space<semaphore_mem>>)
    %dma_wait3A_151 = arith.constant 2912 : i32
    %dma_wait3A_152 = tpu.memref_slice %arg5[%dma_wait3A_151] : memref<13312xi32, #tpu.memory_space<vmem>> -> memref<416xi32, #tpu.memory_space<vmem>>
    %dma_wait3A_153 = arith.constant 0 : i32
    %dma_wait3A_154 = arith.constant 0 : i32
    %dma_wait3A_155 = tpu.memref_slice %arg3[%dma_wait3A_153, %dma_wait3A_154] : memref<1000000x128xf32, #tpu.memory_space<hbm>> -> memref<1000000x128xf32, #tpu.memory_space<hbm>>
    tpu.wait_indirect_dma semaphore(%arg9 : memref<!tpu.dma_semaphore, #tpu.memory_space<semaphore_mem>>) src(%dma_wait3A_155 : memref<1000000x128xf32, #tpu.memory_space<hbm>>) dst(%arg7 : memref<416x128xf32, #tpu.memory_space<vmem>>)
    %add3A_156 = arith.constant 2912 : i32
    %add3A_157 = arith.addi %mul3A_2, %add3A_156 : i32
    %dma_start3A_158 = arith.constant 0 : i32
    %dma_start3A_159 = tpu.memref_slice %arg4[%add3A_157, %dma_start3A_158] : memref<425984x128xf32, #tpu.memory_space<hbm>> -> memref<416x128xf32, #tpu.memory_space<hbm>>
    %dma_start3A_160 = arith.constant 0 : i32
    %dma_start3A_161 = tpu.memref_slice %arg4[%add3A_157, %dma_start3A_160] : memref<425984x128xf32, #tpu.memory_space<hbm>> -> memref<416x128xf32, #tpu.memory_space<hbm>>
    tpu.enqueue_dma source(%arg7 : memref<416x128xf32, #tpu.memory_space<vmem>>) target(%dma_start3A_161 : memref<416x128xf32, #tpu.memory_space<hbm>>) target_semaphore(%arg11 : memref<!tpu.dma_semaphore, #tpu.memory_space<semaphore_mem>>)
    %dma_wait3A_162 = arith.constant 0 : i32
    %dma_wait3A_163 = tpu.memref_slice %arg4[%add3A_157, %dma_wait3A_162] : memref<425984x128xf32, #tpu.memory_space<hbm>> -> memref<416x128xf32, #tpu.memory_space<hbm>>
    %dma_wait3A_164 = arith.constant 0 : i32
    %dma_wait3A_165 = tpu.memref_slice %arg4[%add3A_157, %dma_wait3A_164] : memref<425984x128xf32, #tpu.memory_space<hbm>> -> memref<416x128xf32, #tpu.memory_space<hbm>>
    tpu.wait_dma2 semaphore(%arg11 : memref<!tpu.dma_semaphore, #tpu.memory_space<semaphore_mem>>) src(%arg7 : memref<416x128xf32, #tpu.memory_space<vmem>>) dst(%dma_wait3A_165 : memref<416x128xf32, #tpu.memory_space<hbm>>)
    %dma_start3A_166 = arith.constant 3744 : i32
    %dma_start3A_167 = tpu.memref_slice %arg5[%dma_start3A_166] : memref<13312xi32, #tpu.memory_space<vmem>> -> memref<416xi32, #tpu.memory_space<vmem>>
    %dma_start3A_168 = arith.constant 0 : i32
    %dma_start3A_169 = arith.constant 0 : i32
    %dma_start3A_170 = tpu.memref_slice %arg3[%dma_start3A_168, %dma_start3A_169] : memref<1000000x128xf32, #tpu.memory_space<hbm>> -> memref<1000000x128xf32, #tpu.memory_space<hbm>>
    tpu.enqueue_indirect_dma source(%dma_start3A_170 : memref<1000000x128xf32, #tpu.memory_space<hbm>>) target(%arg7 : memref<416x128xf32, #tpu.memory_space<vmem>>) offsets(%dma_start3A_167 : memref<416xi32, #tpu.memory_space<vmem>>) semaphore(%arg9 : memref<!tpu.dma_semaphore, #tpu.memory_space<semaphore_mem>>)
    %dma_wait3A_171 = arith.constant 3328 : i32
    %dma_wait3A_172 = tpu.memref_slice %arg5[%dma_wait3A_171] : memref<13312xi32, #tpu.memory_space<vmem>> -> memref<416xi32, #tpu.memory_space<vmem>>
    %dma_wait3A_173 = arith.constant 0 : i32
    %dma_wait3A_174 = arith.constant 0 : i32
    %dma_wait3A_175 = tpu.memref_slice %arg3[%dma_wait3A_173, %dma_wait3A_174] : memref<1000000x128xf32, #tpu.memory_space<hbm>> -> memref<1000000x128xf32, #tpu.memory_space<hbm>>
    tpu.wait_indirect_dma semaphore(%arg8 : memref<!tpu.dma_semaphore, #tpu.memory_space<semaphore_mem>>) src(%dma_wait3A_175 : memref<1000000x128xf32, #tpu.memory_space<hbm>>) dst(%arg6 : memref<416x128xf32, #tpu.memory_space<vmem>>)
    %add3A_176 = arith.constant 3328 : i32
    %add3A_177 = arith.addi %mul3A_2, %add3A_176 : i32
    %dma_start3A_178 = arith.constant 0 : i32
    %dma_start3A_179 = tpu.memref_slice %arg4[%add3A_177, %dma_start3A_178] : memref<425984x128xf32, #tpu.memory_space<hbm>> -> memref<416x128xf32, #tpu.memory_space<hbm>>
    %dma_start3A_180 = arith.constant 0 : i32
    %dma_start3A_181 = tpu.memref_slice %arg4[%add3A_177, %dma_start3A_180] : memref<425984x128xf32, #tpu.memory_space<hbm>> -> memref<416x128xf32, #tpu.memory_space<hbm>>
    tpu.enqueue_dma source(%arg6 : memref<416x128xf32, #tpu.memory_space<vmem>>) target(%dma_start3A_181 : memref<416x128xf32, #tpu.memory_space<hbm>>) target_semaphore(%arg10 : memref<!tpu.dma_semaphore, #tpu.memory_space<semaphore_mem>>)
    %dma_wait3A_182 = arith.constant 0 : i32
    %dma_wait3A_183 = tpu.memref_slice %arg4[%add3A_177, %dma_wait3A_182] : memref<425984x128xf32, #tpu.memory_space<hbm>> -> memref<416x128xf32, #tpu.memory_space<hbm>>
    %dma_wait3A_184 = arith.constant 0 : i32
    %dma_wait3A_185 = tpu.memref_slice %arg4[%add3A_177, %dma_wait3A_184] : memref<425984x128xf32, #tpu.memory_space<hbm>> -> memref<416x128xf32, #tpu.memory_space<hbm>>
    tpu.wait_dma2 semaphore(%arg10 : memref<!tpu.dma_semaphore, #tpu.memory_space<semaphore_mem>>) src(%arg6 : memref<416x128xf32, #tpu.memory_space<vmem>>) dst(%dma_wait3A_185 : memref<416x128xf32, #tpu.memory_space<hbm>>)
    %dma_start3A_186 = arith.constant 4160 : i32
    %dma_start3A_187 = tpu.memref_slice %arg5[%dma_start3A_186] : memref<13312xi32, #tpu.memory_space<vmem>> -> memref<416xi32, #tpu.memory_space<vmem>>
    %dma_start3A_188 = arith.constant 0 : i32
    %dma_start3A_189 = arith.constant 0 : i32
    %dma_start3A_190 = tpu.memref_slice %arg3[%dma_start3A_188, %dma_start3A_189] : memref<1000000x128xf32, #tpu.memory_space<hbm>> -> memref<1000000x128xf32, #tpu.memory_space<hbm>>
    tpu.enqueue_indirect_dma source(%dma_start3A_190 : memref<1000000x128xf32, #tpu.memory_space<hbm>>) target(%arg6 : memref<416x128xf32, #tpu.memory_space<vmem>>) offsets(%dma_start3A_187 : memref<416xi32, #tpu.memory_space<vmem>>) semaphore(%arg8 : memref<!tpu.dma_semaphore, #tpu.memory_space<semaphore_mem>>)
    %dma_wait3A_191 = arith.constant 3744 : i32
    %dma_wait3A_192 = tpu.memref_slice %arg5[%dma_wait3A_191] : memref<13312xi32, #tpu.memory_space<vmem>> -> memref<416xi32, #tpu.memory_space<vmem>>
    %dma_wait3A_193 = arith.constant 0 : i32
    %dma_wait3A_194 = arith.constant 0 : i32
    %dma_wait3A_195 = tpu.memref_slice %arg3[%dma_wait3A_193, %dma_wait3A_194] : memref<1000000x128xf32, #tpu.memory_space<hbm>> -> memref<1000000x128xf32, #tpu.memory_space<hbm>>
    tpu.wait_indirect_dma semaphore(%arg9 : memref<!tpu.dma_semaphore, #tpu.memory_space<semaphore_mem>>) src(%dma_wait3A_195 : memref<1000000x128xf32, #tpu.memory_space<hbm>>) dst(%arg7 : memref<416x128xf32, #tpu.memory_space<vmem>>)
    %add3A_196 = arith.constant 3744 : i32
    %add3A_197 = arith.addi %mul3A_2, %add3A_196 : i32
    %dma_start3A_198 = arith.constant 0 : i32
    %dma_start3A_199 = tpu.memref_slice %arg4[%add3A_197, %dma_start3A_198] : memref<425984x128xf32, #tpu.memory_space<hbm>> -> memref<416x128xf32, #tpu.memory_space<hbm>>
    %dma_start3A_200 = arith.constant 0 : i32
    %dma_start3A_201 = tpu.memref_slice %arg4[%add3A_197, %dma_start3A_200] : memref<425984x128xf32, #tpu.memory_space<hbm>> -> memref<416x128xf32, #tpu.memory_space<hbm>>
    tpu.enqueue_dma source(%arg7 : memref<416x128xf32, #tpu.memory_space<vmem>>) target(%dma_start3A_201 : memref<416x128xf32, #tpu.memory_space<hbm>>) target_semaphore(%arg11 : memref<!tpu.dma_semaphore, #tpu.memory_space<semaphore_mem>>)
    %dma_wait3A_202 = arith.constant 0 : i32
    %dma_wait3A_203 = tpu.memref_slice %arg4[%add3A_197, %dma_wait3A_202] : memref<425984x128xf32, #tpu.memory_space<hbm>> -> memref<416x128xf32, #tpu.memory_space<hbm>>
    %dma_wait3A_204 = arith.constant 0 : i32
    %dma_wait3A_205 = tpu.memref_slice %arg4[%add3A_197, %dma_wait3A_204] : memref<425984x128xf32, #tpu.memory_space<hbm>> -> memref<416x128xf32, #tpu.memory_space<hbm>>
    tpu.wait_dma2 semaphore(%arg11 : memref<!tpu.dma_semaphore, #tpu.memory_space<semaphore_mem>>) src(%arg7 : memref<416x128xf32, #tpu.memory_space<vmem>>) dst(%dma_wait3A_205 : memref<416x128xf32, #tpu.memory_space<hbm>>)
    %dma_start3A_206 = arith.constant 4576 : i32
    %dma_start3A_207 = tpu.memref_slice %arg5[%dma_start3A_206] : memref<13312xi32, #tpu.memory_space<vmem>> -> memref<416xi32, #tpu.memory_space<vmem>>
    %dma_start3A_208 = arith.constant 0 : i32
    %dma_start3A_209 = arith.constant 0 : i32
    %dma_start3A_210 = tpu.memref_slice %arg3[%dma_start3A_208, %dma_start3A_209] : memref<1000000x128xf32, #tpu.memory_space<hbm>> -> memref<1000000x128xf32, #tpu.memory_space<hbm>>
    tpu.enqueue_indirect_dma source(%dma_start3A_210 : memref<1000000x128xf32, #tpu.memory_space<hbm>>) target(%arg7 : memref<416x128xf32, #tpu.memory_space<vmem>>) offsets(%dma_start3A_207 : memref<416xi32, #tpu.memory_space<vmem>>) semaphore(%arg9 : memref<!tpu.dma_semaphore, #tpu.memory_space<semaphore_mem>>)
    %dma_wait3A_211 = arith.constant 4160 : i32
    %dma_wait3A_212 = tpu.memref_slice %arg5[%dma_wait3A_211] : memref<13312xi32, #tpu.memory_space<vmem>> -> memref<416xi32, #tpu.memory_space<vmem>>
    %dma_wait3A_213 = arith.constant 0 : i32
    %dma_wait3A_214 = arith.constant 0 : i32
    %dma_wait3A_215 = tpu.memref_slice %arg3[%dma_wait3A_213, %dma_wait3A_214] : memref<1000000x128xf32, #tpu.memory_space<hbm>> -> memref<1000000x128xf32, #tpu.memory_space<hbm>>
    tpu.wait_indirect_dma semaphore(%arg8 : memref<!tpu.dma_semaphore, #tpu.memory_space<semaphore_mem>>) src(%dma_wait3A_215 : memref<1000000x128xf32, #tpu.memory_space<hbm>>) dst(%arg6 : memref<416x128xf32, #tpu.memory_space<vmem>>)
    %add3A_216 = arith.constant 4160 : i32
    %add3A_217 = arith.addi %mul3A_2, %add3A_216 : i32
    %dma_start3A_218 = arith.constant 0 : i32
    %dma_start3A_219 = tpu.memref_slice %arg4[%add3A_217, %dma_start3A_218] : memref<425984x128xf32, #tpu.memory_space<hbm>> -> memref<416x128xf32, #tpu.memory_space<hbm>>
    %dma_start3A_220 = arith.constant 0 : i32
    %dma_start3A_221 = tpu.memref_slice %arg4[%add3A_217, %dma_start3A_220] : memref<425984x128xf32, #tpu.memory_space<hbm>> -> memref<416x128xf32, #tpu.memory_space<hbm>>
    tpu.enqueue_dma source(%arg6 : memref<416x128xf32, #tpu.memory_space<vmem>>) target(%dma_start3A_221 : memref<416x128xf32, #tpu.memory_space<hbm>>) target_semaphore(%arg10 : memref<!tpu.dma_semaphore, #tpu.memory_space<semaphore_mem>>)
    %dma_wait3A_222 = arith.constant 0 : i32
    %dma_wait3A_223 = tpu.memref_slice %arg4[%add3A_217, %dma_wait3A_222] : memref<425984x128xf32, #tpu.memory_space<hbm>> -> memref<416x128xf32, #tpu.memory_space<hbm>>
    %dma_wait3A_224 = arith.constant 0 : i32
    %dma_wait3A_225 = tpu.memref_slice %arg4[%add3A_217, %dma_wait3A_224] : memref<425984x128xf32, #tpu.memory_space<hbm>> -> memref<416x128xf32, #tpu.memory_space<hbm>>
    tpu.wait_dma2 semaphore(%arg10 : memref<!tpu.dma_semaphore, #tpu.memory_space<semaphore_mem>>) src(%arg6 : memref<416x128xf32, #tpu.memory_space<vmem>>) dst(%dma_wait3A_225 : memref<416x128xf32, #tpu.memory_space<hbm>>)
    %dma_start3A_226 = arith.constant 4992 : i32
    %dma_start3A_227 = tpu.memref_slice %arg5[%dma_start3A_226] : memref<13312xi32, #tpu.memory_space<vmem>> -> memref<416xi32, #tpu.memory_space<vmem>>
    %dma_start3A_228 = arith.constant 0 : i32
    %dma_start3A_229 = arith.constant 0 : i32
    %dma_start3A_230 = tpu.memref_slice %arg3[%dma_start3A_228, %dma_start3A_229] : memref<1000000x128xf32, #tpu.memory_space<hbm>> -> memref<1000000x128xf32, #tpu.memory_space<hbm>>
    tpu.enqueue_indirect_dma source(%dma_start3A_230 : memref<1000000x128xf32, #tpu.memory_space<hbm>>) target(%arg6 : memref<416x128xf32, #tpu.memory_space<vmem>>) offsets(%dma_start3A_227 : memref<416xi32, #tpu.memory_space<vmem>>) semaphore(%arg8 : memref<!tpu.dma_semaphore, #tpu.memory_space<semaphore_mem>>)
    %dma_wait3A_231 = arith.constant 4576 : i32
    %dma_wait3A_232 = tpu.memref_slice %arg5[%dma_wait3A_231] : memref<13312xi32, #tpu.memory_space<vmem>> -> memref<416xi32, #tpu.memory_space<vmem>>
    %dma_wait3A_233 = arith.constant 0 : i32
    %dma_wait3A_234 = arith.constant 0 : i32
    %dma_wait3A_235 = tpu.memref_slice %arg3[%dma_wait3A_233, %dma_wait3A_234] : memref<1000000x128xf32, #tpu.memory_space<hbm>> -> memref<1000000x128xf32, #tpu.memory_space<hbm>>
    tpu.wait_indirect_dma semaphore(%arg9 : memref<!tpu.dma_semaphore, #tpu.memory_space<semaphore_mem>>) src(%dma_wait3A_235 : memref<1000000x128xf32, #tpu.memory_space<hbm>>) dst(%arg7 : memref<416x128xf32, #tpu.memory_space<vmem>>)
    %add3A_236 = arith.constant 4576 : i32
    %add3A_237 = arith.addi %mul3A_2, %add3A_236 : i32
    %dma_start3A_238 = arith.constant 0 : i32
    %dma_start3A_239 = tpu.memref_slice %arg4[%add3A_237, %dma_start3A_238] : memref<425984x128xf32, #tpu.memory_space<hbm>> -> memref<416x128xf32, #tpu.memory_space<hbm>>
    %dma_start3A_240 = arith.constant 0 : i32
    %dma_start3A_241 = tpu.memref_slice %arg4[%add3A_237, %dma_start3A_240] : memref<425984x128xf32, #tpu.memory_space<hbm>> -> memref<416x128xf32, #tpu.memory_space<hbm>>
    tpu.enqueue_dma source(%arg7 : memref<416x128xf32, #tpu.memory_space<vmem>>) target(%dma_start3A_241 : memref<416x128xf32, #tpu.memory_space<hbm>>) target_semaphore(%arg11 : memref<!tpu.dma_semaphore, #tpu.memory_space<semaphore_mem>>)
    %dma_wait3A_242 = arith.constant 0 : i32
    %dma_wait3A_243 = tpu.memref_slice %arg4[%add3A_237, %dma_wait3A_242] : memref<425984x128xf32, #tpu.memory_space<hbm>> -> memref<416x128xf32, #tpu.memory_space<hbm>>
    %dma_wait3A_244 = arith.constant 0 : i32
    %dma_wait3A_245 = tpu.memref_slice %arg4[%add3A_237, %dma_wait3A_244] : memref<425984x128xf32, #tpu.memory_space<hbm>> -> memref<416x128xf32, #tpu.memory_space<hbm>>
    tpu.wait_dma2 semaphore(%arg11 : memref<!tpu.dma_semaphore, #tpu.memory_space<semaphore_mem>>) src(%arg7 : memref<416x128xf32, #tpu.memory_space<vmem>>) dst(%dma_wait3A_245 : memref<416x128xf32, #tpu.memory_space<hbm>>)
    %dma_start3A_246 = arith.constant 5408 : i32
    %dma_start3A_247 = tpu.memref_slice %arg5[%dma_start3A_246] : memref<13312xi32, #tpu.memory_space<vmem>> -> memref<416xi32, #tpu.memory_space<vmem>>
    %dma_start3A_248 = arith.constant 0 : i32
    %dma_start3A_249 = arith.constant 0 : i32
    %dma_start3A_250 = tpu.memref_slice %arg3[%dma_start3A_248, %dma_start3A_249] : memref<1000000x128xf32, #tpu.memory_space<hbm>> -> memref<1000000x128xf32, #tpu.memory_space<hbm>>
    tpu.enqueue_indirect_dma source(%dma_start3A_250 : memref<1000000x128xf32, #tpu.memory_space<hbm>>) target(%arg7 : memref<416x128xf32, #tpu.memory_space<vmem>>) offsets(%dma_start3A_247 : memref<416xi32, #tpu.memory_space<vmem>>) semaphore(%arg9 : memref<!tpu.dma_semaphore, #tpu.memory_space<semaphore_mem>>)
    %dma_wait3A_251 = arith.constant 4992 : i32
    %dma_wait3A_252 = tpu.memref_slice %arg5[%dma_wait3A_251] : memref<13312xi32, #tpu.memory_space<vmem>> -> memref<416xi32, #tpu.memory_space<vmem>>
    %dma_wait3A_253 = arith.constant 0 : i32
    %dma_wait3A_254 = arith.constant 0 : i32
    %dma_wait3A_255 = tpu.memref_slice %arg3[%dma_wait3A_253, %dma_wait3A_254] : memref<1000000x128xf32, #tpu.memory_space<hbm>> -> memref<1000000x128xf32, #tpu.memory_space<hbm>>
    tpu.wait_indirect_dma semaphore(%arg8 : memref<!tpu.dma_semaphore, #tpu.memory_space<semaphore_mem>>) src(%dma_wait3A_255 : memref<1000000x128xf32, #tpu.memory_space<hbm>>) dst(%arg6 : memref<416x128xf32, #tpu.memory_space<vmem>>)
    %add3A_256 = arith.constant 4992 : i32
    %add3A_257 = arith.addi %mul3A_2, %add3A_256 : i32
    %dma_start3A_258 = arith.constant 0 : i32
    %dma_start3A_259 = tpu.memref_slice %arg4[%add3A_257, %dma_start3A_258] : memref<425984x128xf32, #tpu.memory_space<hbm>> -> memref<416x128xf32, #tpu.memory_space<hbm>>
    %dma_start3A_260 = arith.constant 0 : i32
    %dma_start3A_261 = tpu.memref_slice %arg4[%add3A_257, %dma_start3A_260] : memref<425984x128xf32, #tpu.memory_space<hbm>> -> memref<416x128xf32, #tpu.memory_space<hbm>>
    tpu.enqueue_dma source(%arg6 : memref<416x128xf32, #tpu.memory_space<vmem>>) target(%dma_start3A_261 : memref<416x128xf32, #tpu.memory_space<hbm>>) target_semaphore(%arg10 : memref<!tpu.dma_semaphore, #tpu.memory_space<semaphore_mem>>)
    %dma_wait3A_262 = arith.constant 0 : i32
    %dma_wait3A_263 = tpu.memref_slice %arg4[%add3A_257, %dma_wait3A_262] : memref<425984x128xf32, #tpu.memory_space<hbm>> -> memref<416x128xf32, #tpu.memory_space<hbm>>
    %dma_wait3A_264 = arith.constant 0 : i32
    %dma_wait3A_265 = tpu.memref_slice %arg4[%add3A_257, %dma_wait3A_264] : memref<425984x128xf32, #tpu.memory_space<hbm>> -> memref<416x128xf32, #tpu.memory_space<hbm>>
    tpu.wait_dma2 semaphore(%arg10 : memref<!tpu.dma_semaphore, #tpu.memory_space<semaphore_mem>>) src(%arg6 : memref<416x128xf32, #tpu.memory_space<vmem>>) dst(%dma_wait3A_265 : memref<416x128xf32, #tpu.memory_space<hbm>>)
    %dma_start3A_266 = arith.constant 5824 : i32
    %dma_start3A_267 = tpu.memref_slice %arg5[%dma_start3A_266] : memref<13312xi32, #tpu.memory_space<vmem>> -> memref<416xi32, #tpu.memory_space<vmem>>
    %dma_start3A_268 = arith.constant 0 : i32
    %dma_start3A_269 = arith.constant 0 : i32
    %dma_start3A_270 = tpu.memref_slice %arg3[%dma_start3A_268, %dma_start3A_269] : memref<1000000x128xf32, #tpu.memory_space<hbm>> -> memref<1000000x128xf32, #tpu.memory_space<hbm>>
    tpu.enqueue_indirect_dma source(%dma_start3A_270 : memref<1000000x128xf32, #tpu.memory_space<hbm>>) target(%arg6 : memref<416x128xf32, #tpu.memory_space<vmem>>) offsets(%dma_start3A_267 : memref<416xi32, #tpu.memory_space<vmem>>) semaphore(%arg8 : memref<!tpu.dma_semaphore, #tpu.memory_space<semaphore_mem>>)
    %dma_wait3A_271 = arith.constant 5408 : i32
    %dma_wait3A_272 = tpu.memref_slice %arg5[%dma_wait3A_271] : memref<13312xi32, #tpu.memory_space<vmem>> -> memref<416xi32, #tpu.memory_space<vmem>>
    %dma_wait3A_273 = arith.constant 0 : i32
    %dma_wait3A_274 = arith.constant 0 : i32
    %dma_wait3A_275 = tpu.memref_slice %arg3[%dma_wait3A_273, %dma_wait3A_274] : memref<1000000x128xf32, #tpu.memory_space<hbm>> -> memref<1000000x128xf32, #tpu.memory_space<hbm>>
    tpu.wait_indirect_dma semaphore(%arg9 : memref<!tpu.dma_semaphore, #tpu.memory_space<semaphore_mem>>) src(%dma_wait3A_275 : memref<1000000x128xf32, #tpu.memory_space<hbm>>) dst(%arg7 : memref<416x128xf32, #tpu.memory_space<vmem>>)
    %add3A_276 = arith.constant 5408 : i32
    %add3A_277 = arith.addi %mul3A_2, %add3A_276 : i32
    %dma_start3A_278 = arith.constant 0 : i32
    %dma_start3A_279 = tpu.memref_slice %arg4[%add3A_277, %dma_start3A_278] : memref<425984x128xf32, #tpu.memory_space<hbm>> -> memref<416x128xf32, #tpu.memory_space<hbm>>
    %dma_start3A_280 = arith.constant 0 : i32
    %dma_start3A_281 = tpu.memref_slice %arg4[%add3A_277, %dma_start3A_280] : memref<425984x128xf32, #tpu.memory_space<hbm>> -> memref<416x128xf32, #tpu.memory_space<hbm>>
    tpu.enqueue_dma source(%arg7 : memref<416x128xf32, #tpu.memory_space<vmem>>) target(%dma_start3A_281 : memref<416x128xf32, #tpu.memory_space<hbm>>) target_semaphore(%arg11 : memref<!tpu.dma_semaphore, #tpu.memory_space<semaphore_mem>>)
    %dma_wait3A_282 = arith.constant 0 : i32
    %dma_wait3A_283 = tpu.memref_slice %arg4[%add3A_277, %dma_wait3A_282] : memref<425984x128xf32, #tpu.memory_space<hbm>> -> memref<416x128xf32, #tpu.memory_space<hbm>>
    %dma_wait3A_284 = arith.constant 0 : i32
    %dma_wait3A_285 = tpu.memref_slice %arg4[%add3A_277, %dma_wait3A_284] : memref<425984x128xf32, #tpu.memory_space<hbm>> -> memref<416x128xf32, #tpu.memory_space<hbm>>
    tpu.wait_dma2 semaphore(%arg11 : memref<!tpu.dma_semaphore, #tpu.memory_space<semaphore_mem>>) src(%arg7 : memref<416x128xf32, #tpu.memory_space<vmem>>) dst(%dma_wait3A_285 : memref<416x128xf32, #tpu.memory_space<hbm>>)
    %dma_start3A_286 = arith.constant 6240 : i32
    %dma_start3A_287 = tpu.memref_slice %arg5[%dma_start3A_286] : memref<13312xi32, #tpu.memory_space<vmem>> -> memref<416xi32, #tpu.memory_space<vmem>>
    %dma_start3A_288 = arith.constant 0 : i32
    %dma_start3A_289 = arith.constant 0 : i32
    %dma_start3A_290 = tpu.memref_slice %arg3[%dma_start3A_288, %dma_start3A_289] : memref<1000000x128xf32, #tpu.memory_space<hbm>> -> memref<1000000x128xf32, #tpu.memory_space<hbm>>
    tpu.enqueue_indirect_dma source(%dma_start3A_290 : memref<1000000x128xf32, #tpu.memory_space<hbm>>) target(%arg7 : memref<416x128xf32, #tpu.memory_space<vmem>>) offsets(%dma_start3A_287 : memref<416xi32, #tpu.memory_space<vmem>>) semaphore(%arg9 : memref<!tpu.dma_semaphore, #tpu.memory_space<semaphore_mem>>)
    %dma_wait3A_291 = arith.constant 5824 : i32
    %dma_wait3A_292 = tpu.memref_slice %arg5[%dma_wait3A_291] : memref<13312xi32, #tpu.memory_space<vmem>> -> memref<416xi32, #tpu.memory_space<vmem>>
    %dma_wait3A_293 = arith.constant 0 : i32
    %dma_wait3A_294 = arith.constant 0 : i32
    %dma_wait3A_295 = tpu.memref_slice %arg3[%dma_wait3A_293, %dma_wait3A_294] : memref<1000000x128xf32, #tpu.memory_space<hbm>> -> memref<1000000x128xf32, #tpu.memory_space<hbm>>
    tpu.wait_indirect_dma semaphore(%arg8 : memref<!tpu.dma_semaphore, #tpu.memory_space<semaphore_mem>>) src(%dma_wait3A_295 : memref<1000000x128xf32, #tpu.memory_space<hbm>>) dst(%arg6 : memref<416x128xf32, #tpu.memory_space<vmem>>)
    %add3A_296 = arith.constant 5824 : i32
    %add3A_297 = arith.addi %mul3A_2, %add3A_296 : i32
    %dma_start3A_298 = arith.constant 0 : i32
    %dma_start3A_299 = tpu.memref_slice %arg4[%add3A_297, %dma_start3A_298] : memref<425984x128xf32, #tpu.memory_space<hbm>> -> memref<416x128xf32, #tpu.memory_space<hbm>>
    %dma_start3A_300 = arith.constant 0 : i32
    %dma_start3A_301 = tpu.memref_slice %arg4[%add3A_297, %dma_start3A_300] : memref<425984x128xf32, #tpu.memory_space<hbm>> -> memref<416x128xf32, #tpu.memory_space<hbm>>
    tpu.enqueue_dma source(%arg6 : memref<416x128xf32, #tpu.memory_space<vmem>>) target(%dma_start3A_301 : memref<416x128xf32, #tpu.memory_space<hbm>>) target_semaphore(%arg10 : memref<!tpu.dma_semaphore, #tpu.memory_space<semaphore_mem>>)
    %dma_wait3A_302 = arith.constant 0 : i32
    %dma_wait3A_303 = tpu.memref_slice %arg4[%add3A_297, %dma_wait3A_302] : memref<425984x128xf32, #tpu.memory_space<hbm>> -> memref<416x128xf32, #tpu.memory_space<hbm>>
    %dma_wait3A_304 = arith.constant 0 : i32
    %dma_wait3A_305 = tpu.memref_slice %arg4[%add3A_297, %dma_wait3A_304] : memref<425984x128xf32, #tpu.memory_space<hbm>> -> memref<416x128xf32, #tpu.memory_space<hbm>>
    tpu.wait_dma2 semaphore(%arg10 : memref<!tpu.dma_semaphore, #tpu.memory_space<semaphore_mem>>) src(%arg6 : memref<416x128xf32, #tpu.memory_space<vmem>>) dst(%dma_wait3A_305 : memref<416x128xf32, #tpu.memory_space<hbm>>)
    %dma_start3A_306 = arith.constant 6656 : i32
    %dma_start3A_307 = tpu.memref_slice %arg5[%dma_start3A_306] : memref<13312xi32, #tpu.memory_space<vmem>> -> memref<416xi32, #tpu.memory_space<vmem>>
    %dma_start3A_308 = arith.constant 0 : i32
    %dma_start3A_309 = arith.constant 0 : i32
    %dma_start3A_310 = tpu.memref_slice %arg3[%dma_start3A_308, %dma_start3A_309] : memref<1000000x128xf32, #tpu.memory_space<hbm>> -> memref<1000000x128xf32, #tpu.memory_space<hbm>>
    tpu.enqueue_indirect_dma source(%dma_start3A_310 : memref<1000000x128xf32, #tpu.memory_space<hbm>>) target(%arg6 : memref<416x128xf32, #tpu.memory_space<vmem>>) offsets(%dma_start3A_307 : memref<416xi32, #tpu.memory_space<vmem>>) semaphore(%arg8 : memref<!tpu.dma_semaphore, #tpu.memory_space<semaphore_mem>>)
    %dma_wait3A_311 = arith.constant 6240 : i32
    %dma_wait3A_312 = tpu.memref_slice %arg5[%dma_wait3A_311] : memref<13312xi32, #tpu.memory_space<vmem>> -> memref<416xi32, #tpu.memory_space<vmem>>
    %dma_wait3A_313 = arith.constant 0 : i32
    %dma_wait3A_314 = arith.constant 0 : i32
    %dma_wait3A_315 = tpu.memref_slice %arg3[%dma_wait3A_313, %dma_wait3A_314] : memref<1000000x128xf32, #tpu.memory_space<hbm>> -> memref<1000000x128xf32, #tpu.memory_space<hbm>>
    tpu.wait_indirect_dma semaphore(%arg9 : memref<!tpu.dma_semaphore, #tpu.memory_space<semaphore_mem>>) src(%dma_wait3A_315 : memref<1000000x128xf32, #tpu.memory_space<hbm>>) dst(%arg7 : memref<416x128xf32, #tpu.memory_space<vmem>>)
    %add3A_316 = arith.constant 6240 : i32
    %add3A_317 = arith.addi %mul3A_2, %add3A_316 : i32
    %dma_start3A_318 = arith.constant 0 : i32
    %dma_start3A_319 = tpu.memref_slice %arg4[%add3A_317, %dma_start3A_318] : memref<425984x128xf32, #tpu.memory_space<hbm>> -> memref<416x128xf32, #tpu.memory_space<hbm>>
    %dma_start3A_320 = arith.constant 0 : i32
    %dma_start3A_321 = tpu.memref_slice %arg4[%add3A_317, %dma_start3A_320] : memref<425984x128xf32, #tpu.memory_space<hbm>> -> memref<416x128xf32, #tpu.memory_space<hbm>>
    tpu.enqueue_dma source(%arg7 : memref<416x128xf32, #tpu.memory_space<vmem>>) target(%dma_start3A_321 : memref<416x128xf32, #tpu.memory_space<hbm>>) target_semaphore(%arg11 : memref<!tpu.dma_semaphore, #tpu.memory_space<semaphore_mem>>)
    %dma_wait3A_322 = arith.constant 0 : i32
    %dma_wait3A_323 = tpu.memref_slice %arg4[%add3A_317, %dma_wait3A_322] : memref<425984x128xf32, #tpu.memory_space<hbm>> -> memref<416x128xf32, #tpu.memory_space<hbm>>
    %dma_wait3A_324 = arith.constant 0 : i32
    %dma_wait3A_325 = tpu.memref_slice %arg4[%add3A_317, %dma_wait3A_324] : memref<425984x128xf32, #tpu.memory_space<hbm>> -> memref<416x128xf32, #tpu.memory_space<hbm>>
    tpu.wait_dma2 semaphore(%arg11 : memref<!tpu.dma_semaphore, #tpu.memory_space<semaphore_mem>>) src(%arg7 : memref<416x128xf32, #tpu.memory_space<vmem>>) dst(%dma_wait3A_325 : memref<416x128xf32, #tpu.memory_space<hbm>>)
    %dma_start3A_326 = arith.constant 7072 : i32
    %dma_start3A_327 = tpu.memref_slice %arg5[%dma_start3A_326] : memref<13312xi32, #tpu.memory_space<vmem>> -> memref<416xi32, #tpu.memory_space<vmem>>
    %dma_start3A_328 = arith.constant 0 : i32
    %dma_start3A_329 = arith.constant 0 : i32
    %dma_start3A_330 = tpu.memref_slice %arg3[%dma_start3A_328, %dma_start3A_329] : memref<1000000x128xf32, #tpu.memory_space<hbm>> -> memref<1000000x128xf32, #tpu.memory_space<hbm>>
    tpu.enqueue_indirect_dma source(%dma_start3A_330 : memref<1000000x128xf32, #tpu.memory_space<hbm>>) target(%arg7 : memref<416x128xf32, #tpu.memory_space<vmem>>) offsets(%dma_start3A_327 : memref<416xi32, #tpu.memory_space<vmem>>) semaphore(%arg9 : memref<!tpu.dma_semaphore, #tpu.memory_space<semaphore_mem>>)
    %dma_wait3A_331 = arith.constant 6656 : i32
    %dma_wait3A_332 = tpu.memref_slice %arg5[%dma_wait3A_331] : memref<13312xi32, #tpu.memory_space<vmem>> -> memref<416xi32, #tpu.memory_space<vmem>>
    %dma_wait3A_333 = arith.constant 0 : i32
    %dma_wait3A_334 = arith.constant 0 : i32
    %dma_wait3A_335 = tpu.memref_slice %arg3[%dma_wait3A_333, %dma_wait3A_334] : memref<1000000x128xf32, #tpu.memory_space<hbm>> -> memref<1000000x128xf32, #tpu.memory_space<hbm>>
    tpu.wait_indirect_dma semaphore(%arg8 : memref<!tpu.dma_semaphore, #tpu.memory_space<semaphore_mem>>) src(%dma_wait3A_335 : memref<1000000x128xf32, #tpu.memory_space<hbm>>) dst(%arg6 : memref<416x128xf32, #tpu.memory_space<vmem>>)
    %add3A_336 = arith.constant 6656 : i32
    %add3A_337 = arith.addi %mul3A_2, %add3A_336 : i32
    %dma_start3A_338 = arith.constant 0 : i32
    %dma_start3A_339 = tpu.memref_slice %arg4[%add3A_337, %dma_start3A_338] : memref<425984x128xf32, #tpu.memory_space<hbm>> -> memref<416x128xf32, #tpu.memory_space<hbm>>
    %dma_start3A_340 = arith.constant 0 : i32
    %dma_start3A_341 = tpu.memref_slice %arg4[%add3A_337, %dma_start3A_340] : memref<425984x128xf32, #tpu.memory_space<hbm>> -> memref<416x128xf32, #tpu.memory_space<hbm>>
    tpu.enqueue_dma source(%arg6 : memref<416x128xf32, #tpu.memory_space<vmem>>) target(%dma_start3A_341 : memref<416x128xf32, #tpu.memory_space<hbm>>) target_semaphore(%arg10 : memref<!tpu.dma_semaphore, #tpu.memory_space<semaphore_mem>>)
    %dma_wait3A_342 = arith.constant 0 : i32
    %dma_wait3A_343 = tpu.memref_slice %arg4[%add3A_337, %dma_wait3A_342] : memref<425984x128xf32, #tpu.memory_space<hbm>> -> memref<416x128xf32, #tpu.memory_space<hbm>>
    %dma_wait3A_344 = arith.constant 0 : i32
    %dma_wait3A_345 = tpu.memref_slice %arg4[%add3A_337, %dma_wait3A_344] : memref<425984x128xf32, #tpu.memory_space<hbm>> -> memref<416x128xf32, #tpu.memory_space<hbm>>
    tpu.wait_dma2 semaphore(%arg10 : memref<!tpu.dma_semaphore, #tpu.memory_space<semaphore_mem>>) src(%arg6 : memref<416x128xf32, #tpu.memory_space<vmem>>) dst(%dma_wait3A_345 : memref<416x128xf32, #tpu.memory_space<hbm>>)
    %dma_start3A_346 = arith.constant 7488 : i32
    %dma_start3A_347 = tpu.memref_slice %arg5[%dma_start3A_346] : memref<13312xi32, #tpu.memory_space<vmem>> -> memref<416xi32, #tpu.memory_space<vmem>>
    %dma_start3A_348 = arith.constant 0 : i32
    %dma_start3A_349 = arith.constant 0 : i32
    %dma_start3A_350 = tpu.memref_slice %arg3[%dma_start3A_348, %dma_start3A_349] : memref<1000000x128xf32, #tpu.memory_space<hbm>> -> memref<1000000x128xf32, #tpu.memory_space<hbm>>
    tpu.enqueue_indirect_dma source(%dma_start3A_350 : memref<1000000x128xf32, #tpu.memory_space<hbm>>) target(%arg6 : memref<416x128xf32, #tpu.memory_space<vmem>>) offsets(%dma_start3A_347 : memref<416xi32, #tpu.memory_space<vmem>>) semaphore(%arg8 : memref<!tpu.dma_semaphore, #tpu.memory_space<semaphore_mem>>)
    %dma_wait3A_351 = arith.constant 7072 : i32
    %dma_wait3A_352 = tpu.memref_slice %arg5[%dma_wait3A_351] : memref<13312xi32, #tpu.memory_space<vmem>> -> memref<416xi32, #tpu.memory_space<vmem>>
    %dma_wait3A_353 = arith.constant 0 : i32
    %dma_wait3A_354 = arith.constant 0 : i32
    %dma_wait3A_355 = tpu.memref_slice %arg3[%dma_wait3A_353, %dma_wait3A_354] : memref<1000000x128xf32, #tpu.memory_space<hbm>> -> memref<1000000x128xf32, #tpu.memory_space<hbm>>
    tpu.wait_indirect_dma semaphore(%arg9 : memref<!tpu.dma_semaphore, #tpu.memory_space<semaphore_mem>>) src(%dma_wait3A_355 : memref<1000000x128xf32, #tpu.memory_space<hbm>>) dst(%arg7 : memref<416x128xf32, #tpu.memory_space<vmem>>)
    %add3A_356 = arith.constant 7072 : i32
    %add3A_357 = arith.addi %mul3A_2, %add3A_356 : i32
    %dma_start3A_358 = arith.constant 0 : i32
    %dma_start3A_359 = tpu.memref_slice %arg4[%add3A_357, %dma_start3A_358] : memref<425984x128xf32, #tpu.memory_space<hbm>> -> memref<416x128xf32, #tpu.memory_space<hbm>>
    %dma_start3A_360 = arith.constant 0 : i32
    %dma_start3A_361 = tpu.memref_slice %arg4[%add3A_357, %dma_start3A_360] : memref<425984x128xf32, #tpu.memory_space<hbm>> -> memref<416x128xf32, #tpu.memory_space<hbm>>
    tpu.enqueue_dma source(%arg7 : memref<416x128xf32, #tpu.memory_space<vmem>>) target(%dma_start3A_361 : memref<416x128xf32, #tpu.memory_space<hbm>>) target_semaphore(%arg11 : memref<!tpu.dma_semaphore, #tpu.memory_space<semaphore_mem>>)
    %dma_wait3A_362 = arith.constant 0 : i32
    %dma_wait3A_363 = tpu.memref_slice %arg4[%add3A_357, %dma_wait3A_362] : memref<425984x128xf32, #tpu.memory_space<hbm>> -> memref<416x128xf32, #tpu.memory_space<hbm>>
    %dma_wait3A_364 = arith.constant 0 : i32
    %dma_wait3A_365 = tpu.memref_slice %arg4[%add3A_357, %dma_wait3A_364] : memref<425984x128xf32, #tpu.memory_space<hbm>> -> memref<416x128xf32, #tpu.memory_space<hbm>>
    tpu.wait_dma2 semaphore(%arg11 : memref<!tpu.dma_semaphore, #tpu.memory_space<semaphore_mem>>) src(%arg7 : memref<416x128xf32, #tpu.memory_space<vmem>>) dst(%dma_wait3A_365 : memref<416x128xf32, #tpu.memory_space<hbm>>)
    %dma_start3A_366 = arith.constant 7904 : i32
    %dma_start3A_367 = tpu.memref_slice %arg5[%dma_start3A_366] : memref<13312xi32, #tpu.memory_space<vmem>> -> memref<416xi32, #tpu.memory_space<vmem>>
    %dma_start3A_368 = arith.constant 0 : i32
    %dma_start3A_369 = arith.constant 0 : i32
    %dma_start3A_370 = tpu.memref_slice %arg3[%dma_start3A_368, %dma_start3A_369] : memref<1000000x128xf32, #tpu.memory_space<hbm>> -> memref<1000000x128xf32, #tpu.memory_space<hbm>>
    tpu.enqueue_indirect_dma source(%dma_start3A_370 : memref<1000000x128xf32, #tpu.memory_space<hbm>>) target(%arg7 : memref<416x128xf32, #tpu.memory_space<vmem>>) offsets(%dma_start3A_367 : memref<416xi32, #tpu.memory_space<vmem>>) semaphore(%arg9 : memref<!tpu.dma_semaphore, #tpu.memory_space<semaphore_mem>>)
    %dma_wait3A_371 = arith.constant 7488 : i32
    %dma_wait3A_372 = tpu.memref_slice %arg5[%dma_wait3A_371] : memref<13312xi32, #tpu.memory_space<vmem>> -> memref<416xi32, #tpu.memory_space<vmem>>
    %dma_wait3A_373 = arith.constant 0 : i32
    %dma_wait3A_374 = arith.constant 0 : i32
    %dma_wait3A_375 = tpu.memref_slice %arg3[%dma_wait3A_373, %dma_wait3A_374] : memref<1000000x128xf32, #tpu.memory_space<hbm>> -> memref<1000000x128xf32, #tpu.memory_space<hbm>>
    tpu.wait_indirect_dma semaphore(%arg8 : memref<!tpu.dma_semaphore, #tpu.memory_space<semaphore_mem>>) src(%dma_wait3A_375 : memref<1000000x128xf32, #tpu.memory_space<hbm>>) dst(%arg6 : memref<416x128xf32, #tpu.memory_space<vmem>>)
    %add3A_376 = arith.constant 7488 : i32
    %add3A_377 = arith.addi %mul3A_2, %add3A_376 : i32
    %dma_start3A_378 = arith.constant 0 : i32
    %dma_start3A_379 = tpu.memref_slice %arg4[%add3A_377, %dma_start3A_378] : memref<425984x128xf32, #tpu.memory_space<hbm>> -> memref<416x128xf32, #tpu.memory_space<hbm>>
    %dma_start3A_380 = arith.constant 0 : i32
    %dma_start3A_381 = tpu.memref_slice %arg4[%add3A_377, %dma_start3A_380] : memref<425984x128xf32, #tpu.memory_space<hbm>> -> memref<416x128xf32, #tpu.memory_space<hbm>>
    tpu.enqueue_dma source(%arg6 : memref<416x128xf32, #tpu.memory_space<vmem>>) target(%dma_start3A_381 : memref<416x128xf32, #tpu.memory_space<hbm>>) target_semaphore(%arg10 : memref<!tpu.dma_semaphore, #tpu.memory_space<semaphore_mem>>)
    %dma_wait3A_382 = arith.constant 0 : i32
    %dma_wait3A_383 = tpu.memref_slice %arg4[%add3A_377, %dma_wait3A_382] : memref<425984x128xf32, #tpu.memory_space<hbm>> -> memref<416x128xf32, #tpu.memory_space<hbm>>
    %dma_wait3A_384 = arith.constant 0 : i32
    %dma_wait3A_385 = tpu.memref_slice %arg4[%add3A_377, %dma_wait3A_384] : memref<425984x128xf32, #tpu.memory_space<hbm>> -> memref<416x128xf32, #tpu.memory_space<hbm>>
    tpu.wait_dma2 semaphore(%arg10 : memref<!tpu.dma_semaphore, #tpu.memory_space<semaphore_mem>>) src(%arg6 : memref<416x128xf32, #tpu.memory_space<vmem>>) dst(%dma_wait3A_385 : memref<416x128xf32, #tpu.memory_space<hbm>>)
    %dma_start3A_386 = arith.constant 8320 : i32
    %dma_start3A_387 = tpu.memref_slice %arg5[%dma_start3A_386] : memref<13312xi32, #tpu.memory_space<vmem>> -> memref<416xi32, #tpu.memory_space<vmem>>
    %dma_start3A_388 = arith.constant 0 : i32
    %dma_start3A_389 = arith.constant 0 : i32
    %dma_start3A_390 = tpu.memref_slice %arg3[%dma_start3A_388, %dma_start3A_389] : memref<1000000x128xf32, #tpu.memory_space<hbm>> -> memref<1000000x128xf32, #tpu.memory_space<hbm>>
    tpu.enqueue_indirect_dma source(%dma_start3A_390 : memref<1000000x128xf32, #tpu.memory_space<hbm>>) target(%arg6 : memref<416x128xf32, #tpu.memory_space<vmem>>) offsets(%dma_start3A_387 : memref<416xi32, #tpu.memory_space<vmem>>) semaphore(%arg8 : memref<!tpu.dma_semaphore, #tpu.memory_space<semaphore_mem>>)
    %dma_wait3A_391 = arith.constant 7904 : i32
    %dma_wait3A_392 = tpu.memref_slice %arg5[%dma_wait3A_391] : memref<13312xi32, #tpu.memory_space<vmem>> -> memref<416xi32, #tpu.memory_space<vmem>>
    %dma_wait3A_393 = arith.constant 0 : i32
    %dma_wait3A_394 = arith.constant 0 : i32
    %dma_wait3A_395 = tpu.memref_slice %arg3[%dma_wait3A_393, %dma_wait3A_394] : memref<1000000x128xf32, #tpu.memory_space<hbm>> -> memref<1000000x128xf32, #tpu.memory_space<hbm>>
    tpu.wait_indirect_dma semaphore(%arg9 : memref<!tpu.dma_semaphore, #tpu.memory_space<semaphore_mem>>) src(%dma_wait3A_395 : memref<1000000x128xf32, #tpu.memory_space<hbm>>) dst(%arg7 : memref<416x128xf32, #tpu.memory_space<vmem>>)
    %add3A_396 = arith.constant 7904 : i32
    %add3A_397 = arith.addi %mul3A_2, %add3A_396 : i32
    %dma_start3A_398 = arith.constant 0 : i32
    %dma_start3A_399 = tpu.memref_slice %arg4[%add3A_397, %dma_start3A_398] : memref<425984x128xf32, #tpu.memory_space<hbm>> -> memref<416x128xf32, #tpu.memory_space<hbm>>
    %dma_start3A_400 = arith.constant 0 : i32
    %dma_start3A_401 = tpu.memref_slice %arg4[%add3A_397, %dma_start3A_400] : memref<425984x128xf32, #tpu.memory_space<hbm>> -> memref<416x128xf32, #tpu.memory_space<hbm>>
    tpu.enqueue_dma source(%arg7 : memref<416x128xf32, #tpu.memory_space<vmem>>) target(%dma_start3A_401 : memref<416x128xf32, #tpu.memory_space<hbm>>) target_semaphore(%arg11 : memref<!tpu.dma_semaphore, #tpu.memory_space<semaphore_mem>>)
    %dma_wait3A_402 = arith.constant 0 : i32
    %dma_wait3A_403 = tpu.memref_slice %arg4[%add3A_397, %dma_wait3A_402] : memref<425984x128xf32, #tpu.memory_space<hbm>> -> memref<416x128xf32, #tpu.memory_space<hbm>>
    %dma_wait3A_404 = arith.constant 0 : i32
    %dma_wait3A_405 = tpu.memref_slice %arg4[%add3A_397, %dma_wait3A_404] : memref<425984x128xf32, #tpu.memory_space<hbm>> -> memref<416x128xf32, #tpu.memory_space<hbm>>
    tpu.wait_dma2 semaphore(%arg11 : memref<!tpu.dma_semaphore, #tpu.memory_space<semaphore_mem>>) src(%arg7 : memref<416x128xf32, #tpu.memory_space<vmem>>) dst(%dma_wait3A_405 : memref<416x128xf32, #tpu.memory_space<hbm>>)
    %dma_start3A_406 = arith.constant 8736 : i32
    %dma_start3A_407 = tpu.memref_slice %arg5[%dma_start3A_406] : memref<13312xi32, #tpu.memory_space<vmem>> -> memref<416xi32, #tpu.memory_space<vmem>>
    %dma_start3A_408 = arith.constant 0 : i32
    %dma_start3A_409 = arith.constant 0 : i32
    %dma_start3A_410 = tpu.memref_slice %arg3[%dma_start3A_408, %dma_start3A_409] : memref<1000000x128xf32, #tpu.memory_space<hbm>> -> memref<1000000x128xf32, #tpu.memory_space<hbm>>
    tpu.enqueue_indirect_dma source(%dma_start3A_410 : memref<1000000x128xf32, #tpu.memory_space<hbm>>) target(%arg7 : memref<416x128xf32, #tpu.memory_space<vmem>>) offsets(%dma_start3A_407 : memref<416xi32, #tpu.memory_space<vmem>>) semaphore(%arg9 : memref<!tpu.dma_semaphore, #tpu.memory_space<semaphore_mem>>)
    %dma_wait3A_411 = arith.constant 8320 : i32
    %dma_wait3A_412 = tpu.memref_slice %arg5[%dma_wait3A_411] : memref<13312xi32, #tpu.memory_space<vmem>> -> memref<416xi32, #tpu.memory_space<vmem>>
    %dma_wait3A_413 = arith.constant 0 : i32
    %dma_wait3A_414 = arith.constant 0 : i32
    %dma_wait3A_415 = tpu.memref_slice %arg3[%dma_wait3A_413, %dma_wait3A_414] : memref<1000000x128xf32, #tpu.memory_space<hbm>> -> memref<1000000x128xf32, #tpu.memory_space<hbm>>
    tpu.wait_indirect_dma semaphore(%arg8 : memref<!tpu.dma_semaphore, #tpu.memory_space<semaphore_mem>>) src(%dma_wait3A_415 : memref<1000000x128xf32, #tpu.memory_space<hbm>>) dst(%arg6 : memref<416x128xf32, #tpu.memory_space<vmem>>)
    %add3A_416 = arith.constant 8320 : i32
    %add3A_417 = arith.addi %mul3A_2, %add3A_416 : i32
    %dma_start3A_418 = arith.constant 0 : i32
    %dma_start3A_419 = tpu.memref_slice %arg4[%add3A_417, %dma_start3A_418] : memref<425984x128xf32, #tpu.memory_space<hbm>> -> memref<416x128xf32, #tpu.memory_space<hbm>>
    %dma_start3A_420 = arith.constant 0 : i32
    %dma_start3A_421 = tpu.memref_slice %arg4[%add3A_417, %dma_start3A_420] : memref<425984x128xf32, #tpu.memory_space<hbm>> -> memref<416x128xf32, #tpu.memory_space<hbm>>
    tpu.enqueue_dma source(%arg6 : memref<416x128xf32, #tpu.memory_space<vmem>>) target(%dma_start3A_421 : memref<416x128xf32, #tpu.memory_space<hbm>>) target_semaphore(%arg10 : memref<!tpu.dma_semaphore, #tpu.memory_space<semaphore_mem>>)
    %dma_wait3A_422 = arith.constant 0 : i32
    %dma_wait3A_423 = tpu.memref_slice %arg4[%add3A_417, %dma_wait3A_422] : memref<425984x128xf32, #tpu.memory_space<hbm>> -> memref<416x128xf32, #tpu.memory_space<hbm>>
    %dma_wait3A_424 = arith.constant 0 : i32
    %dma_wait3A_425 = tpu.memref_slice %arg4[%add3A_417, %dma_wait3A_424] : memref<425984x128xf32, #tpu.memory_space<hbm>> -> memref<416x128xf32, #tpu.memory_space<hbm>>
    tpu.wait_dma2 semaphore(%arg10 : memref<!tpu.dma_semaphore, #tpu.memory_space<semaphore_mem>>) src(%arg6 : memref<416x128xf32, #tpu.memory_space<vmem>>) dst(%dma_wait3A_425 : memref<416x128xf32, #tpu.memory_space<hbm>>)
    %dma_start3A_426 = arith.constant 9152 : i32
    %dma_start3A_427 = tpu.memref_slice %arg5[%dma_start3A_426] : memref<13312xi32, #tpu.memory_space<vmem>> -> memref<416xi32, #tpu.memory_space<vmem>>
    %dma_start3A_428 = arith.constant 0 : i32
    %dma_start3A_429 = arith.constant 0 : i32
    %dma_start3A_430 = tpu.memref_slice %arg3[%dma_start3A_428, %dma_start3A_429] : memref<1000000x128xf32, #tpu.memory_space<hbm>> -> memref<1000000x128xf32, #tpu.memory_space<hbm>>
    tpu.enqueue_indirect_dma source(%dma_start3A_430 : memref<1000000x128xf32, #tpu.memory_space<hbm>>) target(%arg6 : memref<416x128xf32, #tpu.memory_space<vmem>>) offsets(%dma_start3A_427 : memref<416xi32, #tpu.memory_space<vmem>>) semaphore(%arg8 : memref<!tpu.dma_semaphore, #tpu.memory_space<semaphore_mem>>)
    %dma_wait3A_431 = arith.constant 8736 : i32
    %dma_wait3A_432 = tpu.memref_slice %arg5[%dma_wait3A_431] : memref<13312xi32, #tpu.memory_space<vmem>> -> memref<416xi32, #tpu.memory_space<vmem>>
    %dma_wait3A_433 = arith.constant 0 : i32
    %dma_wait3A_434 = arith.constant 0 : i32
    %dma_wait3A_435 = tpu.memref_slice %arg3[%dma_wait3A_433, %dma_wait3A_434] : memref<1000000x128xf32, #tpu.memory_space<hbm>> -> memref<1000000x128xf32, #tpu.memory_space<hbm>>
    tpu.wait_indirect_dma semaphore(%arg9 : memref<!tpu.dma_semaphore, #tpu.memory_space<semaphore_mem>>) src(%dma_wait3A_435 : memref<1000000x128xf32, #tpu.memory_space<hbm>>) dst(%arg7 : memref<416x128xf32, #tpu.memory_space<vmem>>)
    %add3A_436 = arith.constant 8736 : i32
    %add3A_437 = arith.addi %mul3A_2, %add3A_436 : i32
    %dma_start3A_438 = arith.constant 0 : i32
    %dma_start3A_439 = tpu.memref_slice %arg4[%add3A_437, %dma_start3A_438] : memref<425984x128xf32, #tpu.memory_space<hbm>> -> memref<416x128xf32, #tpu.memory_space<hbm>>
    %dma_start3A_440 = arith.constant 0 : i32
    %dma_start3A_441 = tpu.memref_slice %arg4[%add3A_437, %dma_start3A_440] : memref<425984x128xf32, #tpu.memory_space<hbm>> -> memref<416x128xf32, #tpu.memory_space<hbm>>
    tpu.enqueue_dma source(%arg7 : memref<416x128xf32, #tpu.memory_space<vmem>>) target(%dma_start3A_441 : memref<416x128xf32, #tpu.memory_space<hbm>>) target_semaphore(%arg11 : memref<!tpu.dma_semaphore, #tpu.memory_space<semaphore_mem>>)
    %dma_wait3A_442 = arith.constant 0 : i32
    %dma_wait3A_443 = tpu.memref_slice %arg4[%add3A_437, %dma_wait3A_442] : memref<425984x128xf32, #tpu.memory_space<hbm>> -> memref<416x128xf32, #tpu.memory_space<hbm>>
    %dma_wait3A_444 = arith.constant 0 : i32
    %dma_wait3A_445 = tpu.memref_slice %arg4[%add3A_437, %dma_wait3A_444] : memref<425984x128xf32, #tpu.memory_space<hbm>> -> memref<416x128xf32, #tpu.memory_space<hbm>>
    tpu.wait_dma2 semaphore(%arg11 : memref<!tpu.dma_semaphore, #tpu.memory_space<semaphore_mem>>) src(%arg7 : memref<416x128xf32, #tpu.memory_space<vmem>>) dst(%dma_wait3A_445 : memref<416x128xf32, #tpu.memory_space<hbm>>)
    %dma_start3A_446 = arith.constant 9568 : i32
    %dma_start3A_447 = tpu.memref_slice %arg5[%dma_start3A_446] : memref<13312xi32, #tpu.memory_space<vmem>> -> memref<416xi32, #tpu.memory_space<vmem>>
    %dma_start3A_448 = arith.constant 0 : i32
    %dma_start3A_449 = arith.constant 0 : i32
    %dma_start3A_450 = tpu.memref_slice %arg3[%dma_start3A_448, %dma_start3A_449] : memref<1000000x128xf32, #tpu.memory_space<hbm>> -> memref<1000000x128xf32, #tpu.memory_space<hbm>>
    tpu.enqueue_indirect_dma source(%dma_start3A_450 : memref<1000000x128xf32, #tpu.memory_space<hbm>>) target(%arg7 : memref<416x128xf32, #tpu.memory_space<vmem>>) offsets(%dma_start3A_447 : memref<416xi32, #tpu.memory_space<vmem>>) semaphore(%arg9 : memref<!tpu.dma_semaphore, #tpu.memory_space<semaphore_mem>>)
    %dma_wait3A_451 = arith.constant 9152 : i32
    %dma_wait3A_452 = tpu.memref_slice %arg5[%dma_wait3A_451] : memref<13312xi32, #tpu.memory_space<vmem>> -> memref<416xi32, #tpu.memory_space<vmem>>
    %dma_wait3A_453 = arith.constant 0 : i32
    %dma_wait3A_454 = arith.constant 0 : i32
    %dma_wait3A_455 = tpu.memref_slice %arg3[%dma_wait3A_453, %dma_wait3A_454] : memref<1000000x128xf32, #tpu.memory_space<hbm>> -> memref<1000000x128xf32, #tpu.memory_space<hbm>>
    tpu.wait_indirect_dma semaphore(%arg8 : memref<!tpu.dma_semaphore, #tpu.memory_space<semaphore_mem>>) src(%dma_wait3A_455 : memref<1000000x128xf32, #tpu.memory_space<hbm>>) dst(%arg6 : memref<416x128xf32, #tpu.memory_space<vmem>>)
    %add3A_456 = arith.constant 9152 : i32
    %add3A_457 = arith.addi %mul3A_2, %add3A_456 : i32
    %dma_start3A_458 = arith.constant 0 : i32
    %dma_start3A_459 = tpu.memref_slice %arg4[%add3A_457, %dma_start3A_458] : memref<425984x128xf32, #tpu.memory_space<hbm>> -> memref<416x128xf32, #tpu.memory_space<hbm>>
    %dma_start3A_460 = arith.constant 0 : i32
    %dma_start3A_461 = tpu.memref_slice %arg4[%add3A_457, %dma_start3A_460] : memref<425984x128xf32, #tpu.memory_space<hbm>> -> memref<416x128xf32, #tpu.memory_space<hbm>>
    tpu.enqueue_dma source(%arg6 : memref<416x128xf32, #tpu.memory_space<vmem>>) target(%dma_start3A_461 : memref<416x128xf32, #tpu.memory_space<hbm>>) target_semaphore(%arg10 : memref<!tpu.dma_semaphore, #tpu.memory_space<semaphore_mem>>)
    %dma_wait3A_462 = arith.constant 0 : i32
    %dma_wait3A_463 = tpu.memref_slice %arg4[%add3A_457, %dma_wait3A_462] : memref<425984x128xf32, #tpu.memory_space<hbm>> -> memref<416x128xf32, #tpu.memory_space<hbm>>
    %dma_wait3A_464 = arith.constant 0 : i32
    %dma_wait3A_465 = tpu.memref_slice %arg4[%add3A_457, %dma_wait3A_464] : memref<425984x128xf32, #tpu.memory_space<hbm>> -> memref<416x128xf32, #tpu.memory_space<hbm>>
    tpu.wait_dma2 semaphore(%arg10 : memref<!tpu.dma_semaphore, #tpu.memory_space<semaphore_mem>>) src(%arg6 : memref<416x128xf32, #tpu.memory_space<vmem>>) dst(%dma_wait3A_465 : memref<416x128xf32, #tpu.memory_space<hbm>>)
    %dma_start3A_466 = arith.constant 9984 : i32
    %dma_start3A_467 = tpu.memref_slice %arg5[%dma_start3A_466] : memref<13312xi32, #tpu.memory_space<vmem>> -> memref<416xi32, #tpu.memory_space<vmem>>
    %dma_start3A_468 = arith.constant 0 : i32
    %dma_start3A_469 = arith.constant 0 : i32
    %dma_start3A_470 = tpu.memref_slice %arg3[%dma_start3A_468, %dma_start3A_469] : memref<1000000x128xf32, #tpu.memory_space<hbm>> -> memref<1000000x128xf32, #tpu.memory_space<hbm>>
    tpu.enqueue_indirect_dma source(%dma_start3A_470 : memref<1000000x128xf32, #tpu.memory_space<hbm>>) target(%arg6 : memref<416x128xf32, #tpu.memory_space<vmem>>) offsets(%dma_start3A_467 : memref<416xi32, #tpu.memory_space<vmem>>) semaphore(%arg8 : memref<!tpu.dma_semaphore, #tpu.memory_space<semaphore_mem>>)
    %dma_wait3A_471 = arith.constant 9568 : i32
    %dma_wait3A_472 = tpu.memref_slice %arg5[%dma_wait3A_471] : memref<13312xi32, #tpu.memory_space<vmem>> -> memref<416xi32, #tpu.memory_space<vmem>>
    %dma_wait3A_473 = arith.constant 0 : i32
    %dma_wait3A_474 = arith.constant 0 : i32
    %dma_wait3A_475 = tpu.memref_slice %arg3[%dma_wait3A_473, %dma_wait3A_474] : memref<1000000x128xf32, #tpu.memory_space<hbm>> -> memref<1000000x128xf32, #tpu.memory_space<hbm>>
    tpu.wait_indirect_dma semaphore(%arg9 : memref<!tpu.dma_semaphore, #tpu.memory_space<semaphore_mem>>) src(%dma_wait3A_475 : memref<1000000x128xf32, #tpu.memory_space<hbm>>) dst(%arg7 : memref<416x128xf32, #tpu.memory_space<vmem>>)
    %add3A_476 = arith.constant 9568 : i32
    %add3A_477 = arith.addi %mul3A_2, %add3A_476 : i32
    %dma_start3A_478 = arith.constant 0 : i32
    %dma_start3A_479 = tpu.memref_slice %arg4[%add3A_477, %dma_start3A_478] : memref<425984x128xf32, #tpu.memory_space<hbm>> -> memref<416x128xf32, #tpu.memory_space<hbm>>
    %dma_start3A_480 = arith.constant 0 : i32
    %dma_start3A_481 = tpu.memref_slice %arg4[%add3A_477, %dma_start3A_480] : memref<425984x128xf32, #tpu.memory_space<hbm>> -> memref<416x128xf32, #tpu.memory_space<hbm>>
    tpu.enqueue_dma source(%arg7 : memref<416x128xf32, #tpu.memory_space<vmem>>) target(%dma_start3A_481 : memref<416x128xf32, #tpu.memory_space<hbm>>) target_semaphore(%arg11 : memref<!tpu.dma_semaphore, #tpu.memory_space<semaphore_mem>>)
    %dma_wait3A_482 = arith.constant 0 : i32
    %dma_wait3A_483 = tpu.memref_slice %arg4[%add3A_477, %dma_wait3A_482] : memref<425984x128xf32, #tpu.memory_space<hbm>> -> memref<416x128xf32, #tpu.memory_space<hbm>>
    %dma_wait3A_484 = arith.constant 0 : i32
    %dma_wait3A_485 = tpu.memref_slice %arg4[%add3A_477, %dma_wait3A_484] : memref<425984x128xf32, #tpu.memory_space<hbm>> -> memref<416x128xf32, #tpu.memory_space<hbm>>
    tpu.wait_dma2 semaphore(%arg11 : memref<!tpu.dma_semaphore, #tpu.memory_space<semaphore_mem>>) src(%arg7 : memref<416x128xf32, #tpu.memory_space<vmem>>) dst(%dma_wait3A_485 : memref<416x128xf32, #tpu.memory_space<hbm>>)
    %dma_start3A_486 = arith.constant 10400 : i32
    %dma_start3A_487 = tpu.memref_slice %arg5[%dma_start3A_486] : memref<13312xi32, #tpu.memory_space<vmem>> -> memref<416xi32, #tpu.memory_space<vmem>>
    %dma_start3A_488 = arith.constant 0 : i32
    %dma_start3A_489 = arith.constant 0 : i32
    %dma_start3A_490 = tpu.memref_slice %arg3[%dma_start3A_488, %dma_start3A_489] : memref<1000000x128xf32, #tpu.memory_space<hbm>> -> memref<1000000x128xf32, #tpu.memory_space<hbm>>
    tpu.enqueue_indirect_dma source(%dma_start3A_490 : memref<1000000x128xf32, #tpu.memory_space<hbm>>) target(%arg7 : memref<416x128xf32, #tpu.memory_space<vmem>>) offsets(%dma_start3A_487 : memref<416xi32, #tpu.memory_space<vmem>>) semaphore(%arg9 : memref<!tpu.dma_semaphore, #tpu.memory_space<semaphore_mem>>)
    %dma_wait3A_491 = arith.constant 9984 : i32
    %dma_wait3A_492 = tpu.memref_slice %arg5[%dma_wait3A_491] : memref<13312xi32, #tpu.memory_space<vmem>> -> memref<416xi32, #tpu.memory_space<vmem>>
    %dma_wait3A_493 = arith.constant 0 : i32
    %dma_wait3A_494 = arith.constant 0 : i32
    %dma_wait3A_495 = tpu.memref_slice %arg3[%dma_wait3A_493, %dma_wait3A_494] : memref<1000000x128xf32, #tpu.memory_space<hbm>> -> memref<1000000x128xf32, #tpu.memory_space<hbm>>
    tpu.wait_indirect_dma semaphore(%arg8 : memref<!tpu.dma_semaphore, #tpu.memory_space<semaphore_mem>>) src(%dma_wait3A_495 : memref<1000000x128xf32, #tpu.memory_space<hbm>>) dst(%arg6 : memref<416x128xf32, #tpu.memory_space<vmem>>)
    %add3A_496 = arith.constant 9984 : i32
    %add3A_497 = arith.addi %mul3A_2, %add3A_496 : i32
    %dma_start3A_498 = arith.constant 0 : i32
    %dma_start3A_499 = tpu.memref_slice %arg4[%add3A_497, %dma_start3A_498] : memref<425984x128xf32, #tpu.memory_space<hbm>> -> memref<416x128xf32, #tpu.memory_space<hbm>>
    %dma_start3A_500 = arith.constant 0 : i32
    %dma_start3A_501 = tpu.memref_slice %arg4[%add3A_497, %dma_start3A_500] : memref<425984x128xf32, #tpu.memory_space<hbm>> -> memref<416x128xf32, #tpu.memory_space<hbm>>
    tpu.enqueue_dma source(%arg6 : memref<416x128xf32, #tpu.memory_space<vmem>>) target(%dma_start3A_501 : memref<416x128xf32, #tpu.memory_space<hbm>>) target_semaphore(%arg10 : memref<!tpu.dma_semaphore, #tpu.memory_space<semaphore_mem>>)
    %dma_wait3A_502 = arith.constant 0 : i32
    %dma_wait3A_503 = tpu.memref_slice %arg4[%add3A_497, %dma_wait3A_502] : memref<425984x128xf32, #tpu.memory_space<hbm>> -> memref<416x128xf32, #tpu.memory_space<hbm>>
    %dma_wait3A_504 = arith.constant 0 : i32
    %dma_wait3A_505 = tpu.memref_slice %arg4[%add3A_497, %dma_wait3A_504] : memref<425984x128xf32, #tpu.memory_space<hbm>> -> memref<416x128xf32, #tpu.memory_space<hbm>>
    tpu.wait_dma2 semaphore(%arg10 : memref<!tpu.dma_semaphore, #tpu.memory_space<semaphore_mem>>) src(%arg6 : memref<416x128xf32, #tpu.memory_space<vmem>>) dst(%dma_wait3A_505 : memref<416x128xf32, #tpu.memory_space<hbm>>)
    %dma_start3A_506 = arith.constant 10816 : i32
    %dma_start3A_507 = tpu.memref_slice %arg5[%dma_start3A_506] : memref<13312xi32, #tpu.memory_space<vmem>> -> memref<416xi32, #tpu.memory_space<vmem>>
    %dma_start3A_508 = arith.constant 0 : i32
    %dma_start3A_509 = arith.constant 0 : i32
    %dma_start3A_510 = tpu.memref_slice %arg3[%dma_start3A_508, %dma_start3A_509] : memref<1000000x128xf32, #tpu.memory_space<hbm>> -> memref<1000000x128xf32, #tpu.memory_space<hbm>>
    tpu.enqueue_indirect_dma source(%dma_start3A_510 : memref<1000000x128xf32, #tpu.memory_space<hbm>>) target(%arg6 : memref<416x128xf32, #tpu.memory_space<vmem>>) offsets(%dma_start3A_507 : memref<416xi32, #tpu.memory_space<vmem>>) semaphore(%arg8 : memref<!tpu.dma_semaphore, #tpu.memory_space<semaphore_mem>>)
    %dma_wait3A_511 = arith.constant 10400 : i32
    %dma_wait3A_512 = tpu.memref_slice %arg5[%dma_wait3A_511] : memref<13312xi32, #tpu.memory_space<vmem>> -> memref<416xi32, #tpu.memory_space<vmem>>
    %dma_wait3A_513 = arith.constant 0 : i32
    %dma_wait3A_514 = arith.constant 0 : i32
    %dma_wait3A_515 = tpu.memref_slice %arg3[%dma_wait3A_513, %dma_wait3A_514] : memref<1000000x128xf32, #tpu.memory_space<hbm>> -> memref<1000000x128xf32, #tpu.memory_space<hbm>>
    tpu.wait_indirect_dma semaphore(%arg9 : memref<!tpu.dma_semaphore, #tpu.memory_space<semaphore_mem>>) src(%dma_wait3A_515 : memref<1000000x128xf32, #tpu.memory_space<hbm>>) dst(%arg7 : memref<416x128xf32, #tpu.memory_space<vmem>>)
    %add3A_516 = arith.constant 10400 : i32
    %add3A_517 = arith.addi %mul3A_2, %add3A_516 : i32
    %dma_start3A_518 = arith.constant 0 : i32
    %dma_start3A_519 = tpu.memref_slice %arg4[%add3A_517, %dma_start3A_518] : memref<425984x128xf32, #tpu.memory_space<hbm>> -> memref<416x128xf32, #tpu.memory_space<hbm>>
    %dma_start3A_520 = arith.constant 0 : i32
    %dma_start3A_521 = tpu.memref_slice %arg4[%add3A_517, %dma_start3A_520] : memref<425984x128xf32, #tpu.memory_space<hbm>> -> memref<416x128xf32, #tpu.memory_space<hbm>>
    tpu.enqueue_dma source(%arg7 : memref<416x128xf32, #tpu.memory_space<vmem>>) target(%dma_start3A_521 : memref<416x128xf32, #tpu.memory_space<hbm>>) target_semaphore(%arg11 : memref<!tpu.dma_semaphore, #tpu.memory_space<semaphore_mem>>)
    %dma_wait3A_522 = arith.constant 0 : i32
    %dma_wait3A_523 = tpu.memref_slice %arg4[%add3A_517, %dma_wait3A_522] : memref<425984x128xf32, #tpu.memory_space<hbm>> -> memref<416x128xf32, #tpu.memory_space<hbm>>
    %dma_wait3A_524 = arith.constant 0 : i32
    %dma_wait3A_525 = tpu.memref_slice %arg4[%add3A_517, %dma_wait3A_524] : memref<425984x128xf32, #tpu.memory_space<hbm>> -> memref<416x128xf32, #tpu.memory_space<hbm>>
    tpu.wait_dma2 semaphore(%arg11 : memref<!tpu.dma_semaphore, #tpu.memory_space<semaphore_mem>>) src(%arg7 : memref<416x128xf32, #tpu.memory_space<vmem>>) dst(%dma_wait3A_525 : memref<416x128xf32, #tpu.memory_space<hbm>>)
    %dma_start3A_526 = arith.constant 11232 : i32
    %dma_start3A_527 = tpu.memref_slice %arg5[%dma_start3A_526] : memref<13312xi32, #tpu.memory_space<vmem>> -> memref<416xi32, #tpu.memory_space<vmem>>
    %dma_start3A_528 = arith.constant 0 : i32
    %dma_start3A_529 = arith.constant 0 : i32
    %dma_start3A_530 = tpu.memref_slice %arg3[%dma_start3A_528, %dma_start3A_529] : memref<1000000x128xf32, #tpu.memory_space<hbm>> -> memref<1000000x128xf32, #tpu.memory_space<hbm>>
    tpu.enqueue_indirect_dma source(%dma_start3A_530 : memref<1000000x128xf32, #tpu.memory_space<hbm>>) target(%arg7 : memref<416x128xf32, #tpu.memory_space<vmem>>) offsets(%dma_start3A_527 : memref<416xi32, #tpu.memory_space<vmem>>) semaphore(%arg9 : memref<!tpu.dma_semaphore, #tpu.memory_space<semaphore_mem>>)
    %dma_wait3A_531 = arith.constant 10816 : i32
    %dma_wait3A_532 = tpu.memref_slice %arg5[%dma_wait3A_531] : memref<13312xi32, #tpu.memory_space<vmem>> -> memref<416xi32, #tpu.memory_space<vmem>>
    %dma_wait3A_533 = arith.constant 0 : i32
    %dma_wait3A_534 = arith.constant 0 : i32
    %dma_wait3A_535 = tpu.memref_slice %arg3[%dma_wait3A_533, %dma_wait3A_534] : memref<1000000x128xf32, #tpu.memory_space<hbm>> -> memref<1000000x128xf32, #tpu.memory_space<hbm>>
    tpu.wait_indirect_dma semaphore(%arg8 : memref<!tpu.dma_semaphore, #tpu.memory_space<semaphore_mem>>) src(%dma_wait3A_535 : memref<1000000x128xf32, #tpu.memory_space<hbm>>) dst(%arg6 : memref<416x128xf32, #tpu.memory_space<vmem>>)
    %add3A_536 = arith.constant 10816 : i32
    %add3A_537 = arith.addi %mul3A_2, %add3A_536 : i32
    %dma_start3A_538 = arith.constant 0 : i32
    %dma_start3A_539 = tpu.memref_slice %arg4[%add3A_537, %dma_start3A_538] : memref<425984x128xf32, #tpu.memory_space<hbm>> -> memref<416x128xf32, #tpu.memory_space<hbm>>
    %dma_start3A_540 = arith.constant 0 : i32
    %dma_start3A_541 = tpu.memref_slice %arg4[%add3A_537, %dma_start3A_540] : memref<425984x128xf32, #tpu.memory_space<hbm>> -> memref<416x128xf32, #tpu.memory_space<hbm>>
    tpu.enqueue_dma source(%arg6 : memref<416x128xf32, #tpu.memory_space<vmem>>) target(%dma_start3A_541 : memref<416x128xf32, #tpu.memory_space<hbm>>) target_semaphore(%arg10 : memref<!tpu.dma_semaphore, #tpu.memory_space<semaphore_mem>>)
    %dma_wait3A_542 = arith.constant 0 : i32
    %dma_wait3A_543 = tpu.memref_slice %arg4[%add3A_537, %dma_wait3A_542] : memref<425984x128xf32, #tpu.memory_space<hbm>> -> memref<416x128xf32, #tpu.memory_space<hbm>>
    %dma_wait3A_544 = arith.constant 0 : i32
    %dma_wait3A_545 = tpu.memref_slice %arg4[%add3A_537, %dma_wait3A_544] : memref<425984x128xf32, #tpu.memory_space<hbm>> -> memref<416x128xf32, #tpu.memory_space<hbm>>
    tpu.wait_dma2 semaphore(%arg10 : memref<!tpu.dma_semaphore, #tpu.memory_space<semaphore_mem>>) src(%arg6 : memref<416x128xf32, #tpu.memory_space<vmem>>) dst(%dma_wait3A_545 : memref<416x128xf32, #tpu.memory_space<hbm>>)
    %dma_start3A_546 = arith.constant 11648 : i32
    %dma_start3A_547 = tpu.memref_slice %arg5[%dma_start3A_546] : memref<13312xi32, #tpu.memory_space<vmem>> -> memref<416xi32, #tpu.memory_space<vmem>>
    %dma_start3A_548 = arith.constant 0 : i32
    %dma_start3A_549 = arith.constant 0 : i32
    %dma_start3A_550 = tpu.memref_slice %arg3[%dma_start3A_548, %dma_start3A_549] : memref<1000000x128xf32, #tpu.memory_space<hbm>> -> memref<1000000x128xf32, #tpu.memory_space<hbm>>
    tpu.enqueue_indirect_dma source(%dma_start3A_550 : memref<1000000x128xf32, #tpu.memory_space<hbm>>) target(%arg6 : memref<416x128xf32, #tpu.memory_space<vmem>>) offsets(%dma_start3A_547 : memref<416xi32, #tpu.memory_space<vmem>>) semaphore(%arg8 : memref<!tpu.dma_semaphore, #tpu.memory_space<semaphore_mem>>)
    %dma_wait3A_551 = arith.constant 11232 : i32
    %dma_wait3A_552 = tpu.memref_slice %arg5[%dma_wait3A_551] : memref<13312xi32, #tpu.memory_space<vmem>> -> memref<416xi32, #tpu.memory_space<vmem>>
    %dma_wait3A_553 = arith.constant 0 : i32
    %dma_wait3A_554 = arith.constant 0 : i32
    %dma_wait3A_555 = tpu.memref_slice %arg3[%dma_wait3A_553, %dma_wait3A_554] : memref<1000000x128xf32, #tpu.memory_space<hbm>> -> memref<1000000x128xf32, #tpu.memory_space<hbm>>
    tpu.wait_indirect_dma semaphore(%arg9 : memref<!tpu.dma_semaphore, #tpu.memory_space<semaphore_mem>>) src(%dma_wait3A_555 : memref<1000000x128xf32, #tpu.memory_space<hbm>>) dst(%arg7 : memref<416x128xf32, #tpu.memory_space<vmem>>)
    %add3A_556 = arith.constant 11232 : i32
    %add3A_557 = arith.addi %mul3A_2, %add3A_556 : i32
    %dma_start3A_558 = arith.constant 0 : i32
    %dma_start3A_559 = tpu.memref_slice %arg4[%add3A_557, %dma_start3A_558] : memref<425984x128xf32, #tpu.memory_space<hbm>> -> memref<416x128xf32, #tpu.memory_space<hbm>>
    %dma_start3A_560 = arith.constant 0 : i32
    %dma_start3A_561 = tpu.memref_slice %arg4[%add3A_557, %dma_start3A_560] : memref<425984x128xf32, #tpu.memory_space<hbm>> -> memref<416x128xf32, #tpu.memory_space<hbm>>
    tpu.enqueue_dma source(%arg7 : memref<416x128xf32, #tpu.memory_space<vmem>>) target(%dma_start3A_561 : memref<416x128xf32, #tpu.memory_space<hbm>>) target_semaphore(%arg11 : memref<!tpu.dma_semaphore, #tpu.memory_space<semaphore_mem>>)
    %dma_wait3A_562 = arith.constant 0 : i32
    %dma_wait3A_563 = tpu.memref_slice %arg4[%add3A_557, %dma_wait3A_562] : memref<425984x128xf32, #tpu.memory_space<hbm>> -> memref<416x128xf32, #tpu.memory_space<hbm>>
    %dma_wait3A_564 = arith.constant 0 : i32
    %dma_wait3A_565 = tpu.memref_slice %arg4[%add3A_557, %dma_wait3A_564] : memref<425984x128xf32, #tpu.memory_space<hbm>> -> memref<416x128xf32, #tpu.memory_space<hbm>>
    tpu.wait_dma2 semaphore(%arg11 : memref<!tpu.dma_semaphore, #tpu.memory_space<semaphore_mem>>) src(%arg7 : memref<416x128xf32, #tpu.memory_space<vmem>>) dst(%dma_wait3A_565 : memref<416x128xf32, #tpu.memory_space<hbm>>)
    %dma_start3A_566 = arith.constant 12064 : i32
    %dma_start3A_567 = tpu.memref_slice %arg5[%dma_start3A_566] : memref<13312xi32, #tpu.memory_space<vmem>> -> memref<416xi32, #tpu.memory_space<vmem>>
    %dma_start3A_568 = arith.constant 0 : i32
    %dma_start3A_569 = arith.constant 0 : i32
    %dma_start3A_570 = tpu.memref_slice %arg3[%dma_start3A_568, %dma_start3A_569] : memref<1000000x128xf32, #tpu.memory_space<hbm>> -> memref<1000000x128xf32, #tpu.memory_space<hbm>>
    tpu.enqueue_indirect_dma source(%dma_start3A_570 : memref<1000000x128xf32, #tpu.memory_space<hbm>>) target(%arg7 : memref<416x128xf32, #tpu.memory_space<vmem>>) offsets(%dma_start3A_567 : memref<416xi32, #tpu.memory_space<vmem>>) semaphore(%arg9 : memref<!tpu.dma_semaphore, #tpu.memory_space<semaphore_mem>>)
    %dma_wait3A_571 = arith.constant 11648 : i32
    %dma_wait3A_572 = tpu.memref_slice %arg5[%dma_wait3A_571] : memref<13312xi32, #tpu.memory_space<vmem>> -> memref<416xi32, #tpu.memory_space<vmem>>
    %dma_wait3A_573 = arith.constant 0 : i32
    %dma_wait3A_574 = arith.constant 0 : i32
    %dma_wait3A_575 = tpu.memref_slice %arg3[%dma_wait3A_573, %dma_wait3A_574] : memref<1000000x128xf32, #tpu.memory_space<hbm>> -> memref<1000000x128xf32, #tpu.memory_space<hbm>>
    tpu.wait_indirect_dma semaphore(%arg8 : memref<!tpu.dma_semaphore, #tpu.memory_space<semaphore_mem>>) src(%dma_wait3A_575 : memref<1000000x128xf32, #tpu.memory_space<hbm>>) dst(%arg6 : memref<416x128xf32, #tpu.memory_space<vmem>>)
    %add3A_576 = arith.constant 11648 : i32
    %add3A_577 = arith.addi %mul3A_2, %add3A_576 : i32
    %dma_start3A_578 = arith.constant 0 : i32
    %dma_start3A_579 = tpu.memref_slice %arg4[%add3A_577, %dma_start3A_578] : memref<425984x128xf32, #tpu.memory_space<hbm>> -> memref<416x128xf32, #tpu.memory_space<hbm>>
    %dma_start3A_580 = arith.constant 0 : i32
    %dma_start3A_581 = tpu.memref_slice %arg4[%add3A_577, %dma_start3A_580] : memref<425984x128xf32, #tpu.memory_space<hbm>> -> memref<416x128xf32, #tpu.memory_space<hbm>>
    tpu.enqueue_dma source(%arg6 : memref<416x128xf32, #tpu.memory_space<vmem>>) target(%dma_start3A_581 : memref<416x128xf32, #tpu.memory_space<hbm>>) target_semaphore(%arg10 : memref<!tpu.dma_semaphore, #tpu.memory_space<semaphore_mem>>)
    %dma_wait3A_582 = arith.constant 0 : i32
    %dma_wait3A_583 = tpu.memref_slice %arg4[%add3A_577, %dma_wait3A_582] : memref<425984x128xf32, #tpu.memory_space<hbm>> -> memref<416x128xf32, #tpu.memory_space<hbm>>
    %dma_wait3A_584 = arith.constant 0 : i32
    %dma_wait3A_585 = tpu.memref_slice %arg4[%add3A_577, %dma_wait3A_584] : memref<425984x128xf32, #tpu.memory_space<hbm>> -> memref<416x128xf32, #tpu.memory_space<hbm>>
    tpu.wait_dma2 semaphore(%arg10 : memref<!tpu.dma_semaphore, #tpu.memory_space<semaphore_mem>>) src(%arg6 : memref<416x128xf32, #tpu.memory_space<vmem>>) dst(%dma_wait3A_585 : memref<416x128xf32, #tpu.memory_space<hbm>>)
    %dma_start3A_586 = arith.constant 12480 : i32
    %dma_start3A_587 = tpu.memref_slice %arg5[%dma_start3A_586] : memref<13312xi32, #tpu.memory_space<vmem>> -> memref<416xi32, #tpu.memory_space<vmem>>
    %dma_start3A_588 = arith.constant 0 : i32
    %dma_start3A_589 = arith.constant 0 : i32
    %dma_start3A_590 = tpu.memref_slice %arg3[%dma_start3A_588, %dma_start3A_589] : memref<1000000x128xf32, #tpu.memory_space<hbm>> -> memref<1000000x128xf32, #tpu.memory_space<hbm>>
    tpu.enqueue_indirect_dma source(%dma_start3A_590 : memref<1000000x128xf32, #tpu.memory_space<hbm>>) target(%arg6 : memref<416x128xf32, #tpu.memory_space<vmem>>) offsets(%dma_start3A_587 : memref<416xi32, #tpu.memory_space<vmem>>) semaphore(%arg8 : memref<!tpu.dma_semaphore, #tpu.memory_space<semaphore_mem>>)
    %dma_wait3A_591 = arith.constant 12064 : i32
    %dma_wait3A_592 = tpu.memref_slice %arg5[%dma_wait3A_591] : memref<13312xi32, #tpu.memory_space<vmem>> -> memref<416xi32, #tpu.memory_space<vmem>>
    %dma_wait3A_593 = arith.constant 0 : i32
    %dma_wait3A_594 = arith.constant 0 : i32
    %dma_wait3A_595 = tpu.memref_slice %arg3[%dma_wait3A_593, %dma_wait3A_594] : memref<1000000x128xf32, #tpu.memory_space<hbm>> -> memref<1000000x128xf32, #tpu.memory_space<hbm>>
    tpu.wait_indirect_dma semaphore(%arg9 : memref<!tpu.dma_semaphore, #tpu.memory_space<semaphore_mem>>) src(%dma_wait3A_595 : memref<1000000x128xf32, #tpu.memory_space<hbm>>) dst(%arg7 : memref<416x128xf32, #tpu.memory_space<vmem>>)
    %add3A_596 = arith.constant 12064 : i32
    %add3A_597 = arith.addi %mul3A_2, %add3A_596 : i32
    %dma_start3A_598 = arith.constant 0 : i32
    %dma_start3A_599 = tpu.memref_slice %arg4[%add3A_597, %dma_start3A_598] : memref<425984x128xf32, #tpu.memory_space<hbm>> -> memref<416x128xf32, #tpu.memory_space<hbm>>
    %dma_start3A_600 = arith.constant 0 : i32
    %dma_start3A_601 = tpu.memref_slice %arg4[%add3A_597, %dma_start3A_600] : memref<425984x128xf32, #tpu.memory_space<hbm>> -> memref<416x128xf32, #tpu.memory_space<hbm>>
    tpu.enqueue_dma source(%arg7 : memref<416x128xf32, #tpu.memory_space<vmem>>) target(%dma_start3A_601 : memref<416x128xf32, #tpu.memory_space<hbm>>) target_semaphore(%arg11 : memref<!tpu.dma_semaphore, #tpu.memory_space<semaphore_mem>>)
    %dma_wait3A_602 = arith.constant 0 : i32
    %dma_wait3A_603 = tpu.memref_slice %arg4[%add3A_597, %dma_wait3A_602] : memref<425984x128xf32, #tpu.memory_space<hbm>> -> memref<416x128xf32, #tpu.memory_space<hbm>>
    %dma_wait3A_604 = arith.constant 0 : i32
    %dma_wait3A_605 = tpu.memref_slice %arg4[%add3A_597, %dma_wait3A_604] : memref<425984x128xf32, #tpu.memory_space<hbm>> -> memref<416x128xf32, #tpu.memory_space<hbm>>
    tpu.wait_dma2 semaphore(%arg11 : memref<!tpu.dma_semaphore, #tpu.memory_space<semaphore_mem>>) src(%arg7 : memref<416x128xf32, #tpu.memory_space<vmem>>) dst(%dma_wait3A_605 : memref<416x128xf32, #tpu.memory_space<hbm>>)
    %dma_start3A_606 = arith.constant 12896 : i32
    %dma_start3A_607 = tpu.memref_slice %arg5[%dma_start3A_606] : memref<13312xi32, #tpu.memory_space<vmem>> -> memref<416xi32, #tpu.memory_space<vmem>>
    %dma_start3A_608 = arith.constant 0 : i32
    %dma_start3A_609 = arith.constant 0 : i32
    %dma_start3A_610 = tpu.memref_slice %arg3[%dma_start3A_608, %dma_start3A_609] : memref<1000000x128xf32, #tpu.memory_space<hbm>> -> memref<1000000x128xf32, #tpu.memory_space<hbm>>
    tpu.enqueue_indirect_dma source(%dma_start3A_610 : memref<1000000x128xf32, #tpu.memory_space<hbm>>) target(%arg7 : memref<416x128xf32, #tpu.memory_space<vmem>>) offsets(%dma_start3A_607 : memref<416xi32, #tpu.memory_space<vmem>>) semaphore(%arg9 : memref<!tpu.dma_semaphore, #tpu.memory_space<semaphore_mem>>)
    %dma_wait3A_611 = arith.constant 12480 : i32
    %dma_wait3A_612 = tpu.memref_slice %arg5[%dma_wait3A_611] : memref<13312xi32, #tpu.memory_space<vmem>> -> memref<416xi32, #tpu.memory_space<vmem>>
    %dma_wait3A_613 = arith.constant 0 : i32
    %dma_wait3A_614 = arith.constant 0 : i32
    %dma_wait3A_615 = tpu.memref_slice %arg3[%dma_wait3A_613, %dma_wait3A_614] : memref<1000000x128xf32, #tpu.memory_space<hbm>> -> memref<1000000x128xf32, #tpu.memory_space<hbm>>
    tpu.wait_indirect_dma semaphore(%arg8 : memref<!tpu.dma_semaphore, #tpu.memory_space<semaphore_mem>>) src(%dma_wait3A_615 : memref<1000000x128xf32, #tpu.memory_space<hbm>>) dst(%arg6 : memref<416x128xf32, #tpu.memory_space<vmem>>)
    %add3A_616 = arith.constant 12480 : i32
    %add3A_617 = arith.addi %mul3A_2, %add3A_616 : i32
    %dma_start3A_618 = arith.constant 0 : i32
    %dma_start3A_619 = tpu.memref_slice %arg4[%add3A_617, %dma_start3A_618] : memref<425984x128xf32, #tpu.memory_space<hbm>> -> memref<416x128xf32, #tpu.memory_space<hbm>>
    %dma_start3A_620 = arith.constant 0 : i32
    %dma_start3A_621 = tpu.memref_slice %arg4[%add3A_617, %dma_start3A_620] : memref<425984x128xf32, #tpu.memory_space<hbm>> -> memref<416x128xf32, #tpu.memory_space<hbm>>
    tpu.enqueue_dma source(%arg6 : memref<416x128xf32, #tpu.memory_space<vmem>>) target(%dma_start3A_621 : memref<416x128xf32, #tpu.memory_space<hbm>>) target_semaphore(%arg10 : memref<!tpu.dma_semaphore, #tpu.memory_space<semaphore_mem>>)
    %dma_wait3A_622 = arith.constant 12896 : i32
    %dma_wait3A_623 = tpu.memref_slice %arg5[%dma_wait3A_622] : memref<13312xi32, #tpu.memory_space<vmem>> -> memref<416xi32, #tpu.memory_space<vmem>>
    %dma_wait3A_624 = arith.constant 0 : i32
    %dma_wait3A_625 = arith.constant 0 : i32
    %dma_wait3A_626 = tpu.memref_slice %arg3[%dma_wait3A_624, %dma_wait3A_625] : memref<1000000x128xf32, #tpu.memory_space<hbm>> -> memref<1000000x128xf32, #tpu.memory_space<hbm>>
    tpu.wait_indirect_dma semaphore(%arg9 : memref<!tpu.dma_semaphore, #tpu.memory_space<semaphore_mem>>) src(%dma_wait3A_626 : memref<1000000x128xf32, #tpu.memory_space<hbm>>) dst(%arg7 : memref<416x128xf32, #tpu.memory_space<vmem>>)
    %add3A_627 = arith.constant 12896 : i32
    %add3A_628 = arith.addi %mul3A_2, %add3A_627 : i32
    %dma_start3A_629 = arith.constant 0 : i32
    %dma_start3A_630 = tpu.memref_slice %arg4[%add3A_628, %dma_start3A_629] : memref<425984x128xf32, #tpu.memory_space<hbm>> -> memref<416x128xf32, #tpu.memory_space<hbm>>
    %dma_start3A_631 = arith.constant 0 : i32
    %dma_start3A_632 = tpu.memref_slice %arg4[%add3A_628, %dma_start3A_631] : memref<425984x128xf32, #tpu.memory_space<hbm>> -> memref<416x128xf32, #tpu.memory_space<hbm>>
    tpu.enqueue_dma source(%arg7 : memref<416x128xf32, #tpu.memory_space<vmem>>) target(%dma_start3A_632 : memref<416x128xf32, #tpu.memory_space<hbm>>) target_semaphore(%arg11 : memref<!tpu.dma_semaphore, #tpu.memory_space<semaphore_mem>>)
    %dma_wait3A_633 = arith.constant 0 : i32
    %dma_wait3A_634 = tpu.memref_slice %arg4[%add3A_617, %dma_wait3A_633] : memref<425984x128xf32, #tpu.memory_space<hbm>> -> memref<416x128xf32, #tpu.memory_space<hbm>>
    %dma_wait3A_635 = arith.constant 0 : i32
    %dma_wait3A_636 = tpu.memref_slice %arg4[%add3A_617, %dma_wait3A_635] : memref<425984x128xf32, #tpu.memory_space<hbm>> -> memref<416x128xf32, #tpu.memory_space<hbm>>
    tpu.wait_dma2 semaphore(%arg10 : memref<!tpu.dma_semaphore, #tpu.memory_space<semaphore_mem>>) src(%arg6 : memref<416x128xf32, #tpu.memory_space<vmem>>) dst(%dma_wait3A_636 : memref<416x128xf32, #tpu.memory_space<hbm>>)
    %dma_wait3A_637 = arith.constant 0 : i32
    %dma_wait3A_638 = tpu.memref_slice %arg4[%add3A_628, %dma_wait3A_637] : memref<425984x128xf32, #tpu.memory_space<hbm>> -> memref<416x128xf32, #tpu.memory_space<hbm>>
    %dma_wait3A_639 = arith.constant 0 : i32
    %dma_wait3A_640 = tpu.memref_slice %arg4[%add3A_628, %dma_wait3A_639] : memref<425984x128xf32, #tpu.memory_space<hbm>> -> memref<416x128xf32, #tpu.memory_space<hbm>>
    tpu.wait_dma2 semaphore(%arg11 : memref<!tpu.dma_semaphore, #tpu.memory_space<semaphore_mem>>) src(%arg7 : memref<416x128xf32, #tpu.memory_space<vmem>>) dst(%dma_wait3A_640 : memref<416x128xf32, #tpu.memory_space<hbm>>)
    return
  }
}

</mosaic_0001>

<sc_bundles>
// kernel: kernel.3.cloned.1.call-start
scs
__scs_entry_jumppad:
0x0: {  	(pc) =	sbr.rel $0x88, $3  }
0x1: {  	(tag) =	ssettag $0x0;
	lr =	simm.s32 $0x1  }
0x2: {  	[smem:$0x3F9F] =	sst lr;
	_ =	strace $0xD0000000  }
0x3: {  	_ = 	snop  }
0x4: {  	_ = 	snop  }
0x5: {  	_ = 	snop  }
0x6: {  	_ = 	snop  }
0x7: {  	_ = 	snop  }
__scs_overlays_trampoline_lowered:
0x8: {  	[smem:$0x3FAE] =	sst s0  }
0x9: {  	[smem:$0x3FAF] =	sst s1  }
0xa: {  	[smem:$0x3FB0] =	sst s2  }
0xb: {  	[smem:$0x3FB1] =	sst s3  }
0xc: {  	[smem:$0x3FB2] =	sst s4  }
0xd: {  	[smem:$0x3FB3] =	sst s5  }
0xe: {  	[smem:$0x3FB4] =	sst s6  }
0xf: {  	[smem:$0x3FB5] =	sst s7  }
0x10: {  	[smem:$0x3FB6] =	sst s8  }
0x11: {  	[smem:$0x3FB7] =	sst s9;
	s0 =	simm.s32 @!p0 $0x0  }
0x12: {  	s1 =	sld [smem:$0x3F9D];
	s0 =	simm.s32 @p0 $0x1  }
0x13: {  	[smem:$0x3FB8] =	sst s0;
	s0 =	simm.s32 @!p1 $0x0  }
0x14: {  	s2 =	sld [smem:$0x3F9C];
	s0 =	simm.s32 @p1 $0x1  }
0x15: {  	[smem:$0x3FB9] =	sst s0;
	s0 =	simm.s32 @!p2 $0x0  }
0x16: {  	s3 =	sld [smem:$0x3FDB];
	s0 =	simm.s32 @p2 $0x1  }
0x17: {  	s4 =	simm.s32 $0x1BF5;
	[smem:$0x3FBB] =	sst s0  }
0x18: {  	s0 =	sld [smem:$0x3F9E];
	_ =	swait.ge [sflag:s4], $0x0  }
0x19: {  	s7 =	sld [smem:$0x3F9F]  }
0x1a: {  	s8 =	sadd.s32 $0xFFFFE003, lr  }
0x1b: {  	s9 =	sadd.s32 $0xFFFFFEF7, lr;
	s5 =	simm.s32 $0xFFFFFFFF;
	p2 =	slt.u32 s8, $0xFFFFF086  }
0x1c: {  	p1 =	slt.u32 s9, $0xF7A;
	s5 =	simm.s32 @!p2 $0x0  }
0x1d: {  	s5 =	simm.s32 @p1 $0x1;
	p0 =	seq.s32 s7, s2  }
0x1e: {  	s7 =	smul.u32 @!p0 $0xF7A, s2;
	p2 =	seq.s32 @!p0 s5, $0x0  }
0x1f: {  	s9 =	smul.u32 $0xF7A, s1;
	s8 =	simm.s32 @!p0 $0x1BF5;
	p2 =	por !p2, p0  }
0x20: {  	[sflag:s8] =	ssyncset.s32 @!p0 $0xFFFFF086;
	s6 =	sadd.s32 @!p0 s3, s7;
	s7 =	simm.s32 @!p0 $0x108  }
0x21: {  	s3 =	sadd.s32 s3, s9;
	s6 =	sadd.s32 @!p0 $0x88, s6;
	s7 =	simm.s32 @p2 $0x1082  }
0x22: {  	[simem:s7], [sflag:s8] =	dma.local @!p0 [hbm:s6], $0xF7A  }
0x23: {  	s9 =	sor.u32 $0xD0000000, s2;
	s6 =	simm.s32 $0x108;
	_ =	swait.ge @!p0 [sflag:s8], $0x0  }
0x24: {  	s3 =	sadd.s32 $0x88, s3;
	s6 =	simm.s32 @!p1 $0x1082;
	[sflag:s4] =	ssyncset.s32 $0xFFFFF086  }
0x25: {  	[simem:s6], [sflag:s4] =	dma.local [hbm:s3], $0xF7A  }
0x26: {  	[smem:$0x3F9F] =	sst s1;
	(tag) =	ssettag s2;
	_ =	strace s9  }
0x27: {  	s1 =	sld [smem:$0x3FAF]  }
0x28: {  	s2 =	sld [smem:$0x3FB0]  }
0x29: {  	s4 =	sld [smem:$0x3FB2]  }
0x2a: {  	p0 =	seq.s32 s5, $0x0;
	s5 =	sld [smem:$0x3FB3]  }
0x2b: {  	s6 =	sld [smem:$0x3FB4]  }
0x2c: {  	s7 =	sld [smem:$0x3FB5]  }
0x2d: {  	s3 =	simm.s32 $0x108;
	s8 =	sld [smem:$0x3FB6]  }
0x2e: {  	s3 =	simm.s32 @!p0 $0x1082;
	s9 =	sld [smem:$0x3FB7]  }
0x2f: {  	lr =	sadd.s32 s0, s3;
	s0 =	sld [smem:$0x3FAE]  }
0x30: {  	s3 =	sld [smem:$0x3FB1]  }
0x31: {  	[smem:$0x3FBA] =	sst s10  }
0x32: {  	s10 =	sld [smem:$0x3FB8];
	_ =	sdelay $0x3  }
0x33: {  	p0 =	seq.s32 s10, $0x1;
	s10 =	sld [smem:$0x3FBA];
	_ =	sdelay $0x3  }
0x34: {  	[smem:$0x3FBA] =	sst s10  }
0x35: {  	s10 =	sld [smem:$0x3FB9];
	_ =	sdelay $0x3  }
0x36: {  	p1 =	seq.s32 s10, $0x1;
	s10 =	sld [smem:$0x3FBA];
	_ =	sdelay $0x3  }
0x37: {  	[smem:$0x3FBA] =	sst s10  }
0x38: {  	s10 =	sld [smem:$0x3FBB]  }
0x39: {  	_ = 	snop;
	(pc) =	sbr.ind lr, $3  }
0x3a: {  	_ = 	snop  }
0x3b: {  	_ = 	snop  }
0x3c: {  	p2 =	seq.s32 s10, $0x1;
	s10 =	sld [smem:$0x3FBA]  }
0x3d: {  	_ =	shalt  }
0x3e: {  	_ =	shalt  }
0x3f: {  	_ =	shalt  }
0x40: {  	_ =	shalt  }
0x41: {  	_ =	shalt  }
0x42: {  	_ =	shalt  }
0x43: {  	_ =	shalt  }
0x44: {  	_ =	shalt  }
0x45: {  	_ =	shalt  }
0x46: {  	_ =	shalt  }
0x47: {  	_ =	shalt  }
0x48: {  	_ =	shalt  }
0x49: {  	_ =	shalt  }
0x4a: {  	_ =	shalt  }
0x4b: {  	_ =	shalt  }
0x4c: {  	_ =	shalt  }
0x4d: {  	_ =	shalt  }
0x4e: {  	_ =	shalt  }
0x4f: {  	_ =	shalt  }
0x50: {  	_ =	shalt  }
0x51: {  	_ =	shalt  }
0x52: {  	_ =	shalt  }
0x53: {  	_ =	shalt  }
0x54: {  	_ =	shalt  }
0x55: {  	_ =	shalt  }
0x56: {  	_ =	shalt  }
0x57: {  	_ =	shalt  }
0x58: {  	_ =	shalt  }
0x59: {  	_ =	shalt  }
0x5a: {  	_ =	shalt  }
0x5b: {  	_ =	shalt  }
0x5c: {  	_ =	shalt  }
0x5d: {  	_ =	shalt  }
0x5e: {  	_ =	shalt  }
0x5f: {  	_ =	shalt  }
0x60: {  	_ =	shalt  }
0x61: {  	_ =	shalt  }
0x62: {  	_ =	shalt  }
0x63: {  	_ =	shalt  }
0x64: {  	_ =	shalt  }
0x65: {  	_ =	shalt  }
0x66: {  	_ =	shalt  }
0x67: {  	_ =	shalt  }
0x68: {  	_ =	shalt  }
0x69: {  	_ =	shalt  }
0x6a: {  	_ =	shalt  }
0x6b: {  	_ =	shalt  }
0x6c: {  	_ =	shalt  }
0x6d: {  	_ =	shalt  }
0x6e: {  	_ =	shalt  }
0x6f: {  	_ =	shalt  }
0x70: {  	_ =	shalt  }
0x71: {  	_ =	shalt  }
0x72: {  	_ =	shalt  }
0x73: {  	_ =	shalt  }
0x74: {  	_ =	shalt  }
0x75: {  	_ =	shalt  }
0x76: {  	_ =	shalt  }
0x77: {  	_ =	shalt  }
0x78: {  	_ =	shalt  }
0x79: {  	_ =	shalt  }
0x7a: {  	_ =	shalt  }
0x7b: {  	_ =	shalt  }
0x7c: {  	_ =	shalt  }
0x7d: {  	_ =	shalt  }
0x7e: {  	_ =	shalt  }
0x7f: {  	_ =	shalt  }
0x80: {  	_ =	shalt  }
0x81: {  	_ =	shalt  }
0x82: {  	_ =	shalt  }
0x83: {  	_ =	shalt  }
0x84: {  	_ =	shalt  }
0x85: {  	_ =	shalt  }
0x86: {  	_ =	shalt  }
0x87: {  	_ =	shalt  }
.Lfunc_end0:
.L_simem_size_0:
called_computation.1_lowered:
.L_overlay_start_0:
0x88: {  	s2 =	sld [smem:$0x3FD9]  }
0x89: {  	s3 =	sld [smem:$0x3FFE];
	_ =	sdelay $0x1  }
0x8a: {  	s1 =	srdreg.scid  }
0x8b: {  	s0 =	sand.u32 $0x1, s1  }
0x8c: {  	s17 =	sshll.u32 s0, $0xA;
	s2 =	sadd.s32 s3, s2  }
0x8d: {  	s2 =	sadd.s32 s2, s17  }
0x8e: {  	[smem:$0x3FC6] =	sst s2  }
0x8f: {  	_ = 	snop  }
0x90: {  	s2 =	sld [smem:$0x3FD0];
	(tm) =	ssettm $0x1  }
0x91: {  	s18 =	sld [smem:$0x3FFB];
	_ =	sdelay $0x3  }
0x92: {  	_ =	strace s18  }
0x93: {  	s3 =	sld [smem:$0x3FFC];
	_ =	sdelay $0x3  }
0x94: {  	_ =	strace s3  }
0x95: {  	s3 =	sld [smem:$0x3FFD];
	_ =	sdelay $0x3  }
0x96: {  	_ =	strace s3  }
0x97: {  	_ =	strace $0x8FFFFFFF  }
0x98: {  	s19 =	sld [smem:$0x3FDB];
	_ =	sdelay $0x1  }
0x99: {  	s4 =	simm.s32 $_scs_section_size  }
0x9a: {  	s5 =	simm.s32 $_size__tile_overlayer_lowered;
	s6 =	simm.s32 $_tile_overlayer_lowered  }
0x9b: {  	s22 =	simm.s32 $0x1BFF;
	s21 =	sshll.u32 s6, $0x1;
	s3 =	sadd.s32 s4, s19  }
0x9c: {  	s7 =	simm.s32 $0x0;
	s20 =	sshll.u32 s5, $0x1;
	s5 =	sadd.s32 s21, s3  }
0x9d: {  	[timem:s7], [sflag:s22] =	dma.local [hbm:s5], s20  }
0x9e: {  	_ =	swait.ge [sflag:s22], s20  }
0x9f: {  	s4 =	ssub.s32 $0x0, s20;
	[sflag:s22] =	ssyncset.done $0x0  }
0xa0: {  	[sflag:s22] =	ssyncadd.s32 s4;
	_ =	sdelay $0x1  }
0xa1: {  	s23 =	simm.s32 $0x1B8B  }
0xa2: {  	_ =	swait.ge [sflag:s23], $0x1  }
0xa3: {  	[sflag:s23] =	ssyncset.done $0x0  }
0xa4: {  	s25 =	simm.s32 $0x1B8E;
	s24 =	sld [smem:$0x3FFE];
	[sflag:s23] =	ssyncadd.s32 $0xFFFFFFFF  }
0xa5: {  	s26 =	simm.s32 $execute0_lowered;
	[smem:$0x3FD2] =	sst s25  }
0xa6: {  	s5 =	sshll.u32 s26, $0x1;
	_ =	strace $0x80000046;
	[dreg:$0x1] =	wrdreg $0xFFFFFFFF  }
0xa7: {  	s28 =	simm.s32 $_size_execute0_lowered;
	s3 =	sadd.s32 s3, s5;
	[dreg:$0x0] =	wrdreg $0x0  }
0xa8: {  	s5 =	sshll.u32 s28, $0x1;
	[dreg:$0x2] =	wrdreg s3  }
0xa9: {  	[dreg:$0x3] =	wrdreg s5  }
0xaa: {  	[dreg:$0x4] =	wrdreg $0xC0  }
0xab: {  	_ =	task [dreg:s7], $0x5FFFF  }
0xac: {  	[dreg:$0x1] =	wrdreg $0xFFFFFFFF  }
0xad: {  	[dreg:$0x0] =	wrdreg $0x60  }
0xae: {  	[dreg:$0x2] =	wrdreg s2  }
0xaf: {  	[dreg:$0x3] =	wrdreg s24  }
0xb0: {  	[dreg:$0x4] =	wrdreg $0x9  }
0xb1: {  	_ =	task.clear_ibuf [dreg:s7], $0x5FFFF;
	_ =	strace $0x90000046  }
0xb2: {  	s29 =	simm.s32 $0x9;
	_ =	strace $0x80000048  }
0xb3: {  	_ =	swait.ge [sflag:s29], $0x1  }
0xb4: {  	[sflag:s29] =	ssyncadd.s32 $0xFFFFFFFF  }
0xb5: {  	_ =	strace $0x90000048  }
0xb6: {  	_ =	sfence  }
0xb7: {  	s30 =	sld [smem:$0x0];
	_ =	sdelay $0x2  }
0xb8: {  	s31 =	sshll.u32 s1, $0xD;
	s1 =	sshrl.u32 s1, $0x2  }
0xb9: {  	s3 =	sand.u32 $0x4000, s31;
	s1 =	sadd.s32 s1, s30  }
0xba: {  	s0 =	sor.u32 s3, s0;
	s1 =	sshll.u32 s1, $0x11  }
0xbb: {  	s0 =	sor.u32 s1, s0  }
0xbc: {  	s0 =	sadd.s32 $0x8F2B, s0  }
0xbd: {  	[sflag:s0] =	ssyncadd.remote.s32 $0x1  }
0xbe: {  	_ =	sfence.sel $0xFFFF  }
0xbf: {  	[dreg:$0x0] =	wrdreg $0xFFFFFFFF;
	(pc) =	sbr.abs _section_cstart, $3  }
0xc0: {  	[dreg:$0x1] =	wrdreg $0xFFFFFFFF  }
0xc1: {  	_ =	task.clear_ibuf [dreg:s7], $0x2FFFF;
	_ =	strace $0x9FFFFFFF  }
0xc2: {  	(tm) =	ssettm $0x7FFFFFFF  }
0xc3: {  	_ =	shalt  }
tec
execute0_lowered:
.L_overlay_start_1:
0x0: {  	(tag) =	ssettag $0x1  }
0x1: {  	s0 =	srdreg.scid;
	s2 =	stileid.u32  }
0x2: {  	s1 =	sand.u32 $0x1, s0;
	s3 =	sshll.u32 s2, $0x1  }
0x3: {  	s0 =	sor.u32 s1, s3  }
0x4: {  	s4 =	rddreg [dreg:$0x0];
	s5 =	smul.u32 $0x680, s0  }
0x5: {  	s2 =	simm.s32 $0x0;
	s3 =	rddreg [dreg:$0x1];
	s6 =	smul.u32 $0x34000, s0  }
0x6: {  	[smem:$0x7FF] =	sst s2;
	s7 =	sadd.s32 $0xA00, s3;
	s0 =	smul.u32 $0x1A0000, s0  }
0x7: {  	_ =	strace $0x80000047;
	s4 =	sadd.s32 s4, s5;
	s30 =	sadd.s32 s7, s6  }
0x8: {  	s0 =	sshrl.u32 s0, $0x3;
	[dreg:$0x3] =	wrdreg s4;
	s5 =	sadd.s32 $0x1A00, s30  }
0x9: {  	s6 =	sadd.s32 $0x3400, s30;
	s0 =	sadd.s32 s7, s0;
	[dreg:$0x4] =	wrdreg s5  }
0xa: {  	[dreg:$0x5] =	wrdreg s6;
	s8 =	sadd.s32 $0x4E00, s0  }
0xb: {  	s9 =	sadd.s32 $0x6800, s0;
	[dreg:$0x6] =	wrdreg s8  }
0xc: {  	s10 =	sadd.s32 $0x8200, s0;
	[dreg:$0x7] =	wrdreg s9  }
0xd: {  	s11 =	sadd.s32 $0x9C00, s0;
	[dreg:$0x8] =	wrdreg s10  }
0xe: {  	s12 =	sadd.s32 $0xB600, s0;
	[dreg:$0x9] =	wrdreg s11  }
0xf: {  	s13 =	sadd.s32 $0xD000, s0;
	[dreg:$0xa] =	wrdreg s12  }
0x10: {  	s14 =	sadd.s32 $0xEA00, s0;
	[dreg:$0xb] =	wrdreg s13  }
0x11: {  	s15 =	sadd.s32 $0x10400, s0;
	[dreg:$0xc] =	wrdreg s14  }
0x12: {  	s16 =	sadd.s32 $0x11E00, s0;
	[dreg:$0xd] =	wrdreg s15  }
0x13: {  	s17 =	sadd.s32 $0x13800, s0;
	[dreg:$0xe] =	wrdreg s16  }
0x14: {  	s18 =	sadd.s32 $0x15200, s0;
	[dreg:$0xf] =	wrdreg s17  }
0x15: {  	s19 =	sadd.s32 $0x16C00, s0;
	[dreg:$0x10] =	wrdreg s18  }
0x16: {  	s20 =	sadd.s32 $0x18600, s0;
	[dreg:$0x11] =	wrdreg s19  }
0x17: {  	s21 =	sadd.s32 $0x1A000, s0;
	[dreg:$0x12] =	wrdreg s20  }
0x18: {  	s22 =	sadd.s32 $0x1BA00, s0;
	[dreg:$0x13] =	wrdreg s21  }
0x19: {  	s23 =	sadd.s32 $0x1D400, s0;
	[dreg:$0x14] =	wrdreg s22  }
0x1a: {  	s24 =	sadd.s32 $0x1EE00, s0;
	[dreg:$0x15] =	wrdreg s23  }
0x1b: {  	s25 =	sadd.s32 $0x20800, s0;
	[dreg:$0x16] =	wrdreg s24  }
0x1c: {  	s26 =	sadd.s32 $0x22200, s0;
	[dreg:$0x17] =	wrdreg s25  }
0x1d: {  	s5 =	sadd.s32 $0x23C00, s0;
	[dreg:$0x18] =	wrdreg s26  }
0x1e: {  	s6 =	sadd.s32 $0x25600, s0;
	[dreg:$0x19] =	wrdreg s5  }
0x1f: {  	s7 =	sadd.s32 $0x27000, s0;
	[dreg:$0x1a] =	wrdreg s6  }
0x20: {  	[dreg:$0x1b] =	wrdreg s7;
	s8 =	sadd.s32 $0x28A00, s0  }
0x21: {  	s9 =	sadd.s32 $0x2A400, s0;
	[dreg:$0x1c] =	wrdreg s8  }
0x22: {  	s10 =	sadd.s32 $0x2BE00, s0;
	[dreg:$0x1d] =	wrdreg s9  }
0x23: {  	s11 =	sadd.s32 $0x2D800, s0;
	[dreg:$0x1e] =	wrdreg s10  }
0x24: {  	s12 =	sadd.s32 $0x2F200, s0;
	[dreg:$0x1f] =	wrdreg s11  }
0x25: {  	s13 =	sadd.s32 $0x30C00, s0;
	[smem:$0x7EF] =	sst s12  }
0x26: {  	s31 =	simm.s32 $0x5;
	s0 =	sadd.s32 $0x32600, s0;
	[smem:$0x7F0] =	sst s13  }
0x27: {  	s29 =	simm.s32 $0x16C0;
	s14 =	simm.s32 $0x340;
	[smem:$0x7F1] =	sst s0  }
0x28: {  	s28 =	simm.s32 $0x1860;
	s15 =	simm.s32 $0x4E0;
	[smem:$0x7F2] =	sst s14  }
0x29: {  	p0 =	por $0x0, $0x0;
	s17 =	simm.s32 $0x680;
	[smem:$0x7F3] =	sst s15  }
0x2a: {  	s1 =	ssub.s32 $0x2, s1;
	s18 =	simm.s32 $0x820;
	[smem:$0x7F4] =	sst s17  }
0x2b: {  	s3 =	sadd.s32 $0xF42E00, s3;
	s19 =	simm.s32 $0x9C0;
	[smem:$0x7F5] =	sst s18  }
0x2c: {  	s4 =	simm.s32 $0x10400;
	s20 =	simm.s32 $0xB60;
	[smem:$0x7F6] =	sst s19  }
0x2d: {  	s16 =	sshrl.u32 s1, $0x1;
	s21 =	simm.s32 $0xD00;
	[smem:$0x7F7] =	sst s20  }
0x2e: {  	s7 =	simm.s32 $0x1A0;
	s22 =	simm.s32 $0xEA0;
	[smem:$0x7F8] =	sst s21  }
0x2f: {  	s5 =	simm.s32 $0x3400;
	s23 =	simm.s32 $0x1040;
	[smem:$0x7F9] =	sst s22  }
0x30: {  	s24 =	simm.s32 $0x11E0;
	s6 =	simm.s32 $0x3;
	[smem:$0x7FA] =	sst s23  }
0x31: {  	s25 =	simm.s32 $0x1380;
	s26 =	simm.s32 $0x1520;
	[smem:$0x7FB] =	sst s24  }
0x32: {  	s1 =	ssub.s32 s1, s16;
	s9 =	simm.s32 $0x1;
	[smem:$0x7FC] =	sst s25  }
0x33: {  	s10 =	simm.s32 $0x2;
	s8 =	simm.s32 $0x4;
	[smem:$0x7FD] =	sst s26  }
0x34: {  	s26 =	simm.s32 $0x1A00;
	s25 =	simm.s32 $0x1BA0;
	s1 =	smax.u32 s1, $0x1  }
0x35: {  	s24 =	simm.s32 $0x1D40;
	s23 =	simm.s32 $0x1EE0;
	p1 =	sne.s32 s1, $0x1  }
.Ltmp0:
0x36: {  	s22 =	simm.s32 $0x2080;
	s21 =	simm.s32 $0x2220;
	(pc) =	sbr.rel @!p1 .LBB2_3-.Ltmp0, $4  }
0x37: {  	s20 =	simm.s32 $0x23C0;
	s19 =	simm.s32 $0x2560;
	s18 =	simm.s32 $0x2700  }
0x38: {  	s17 =	simm.s32 $0x28A0;
	s16 =	simm.s32 $0x2A40;
	s15 =	simm.s32 $0x2BE0  }
0x39: {  	s14 =	simm.s32 $0x2D80;
	s13 =	simm.s32 $0x2F20;
	s12 =	simm.s32 $0x30C0  }
0x3a: {  	s11 =	simm.s32 $0x3260;
	s0 =	rddreg [dreg:$0x3];
	s1 =	sadd.s32 $0xFFFFFFFF, s1  }
0x3b: {  	[tilespmem:s2], [sflag:$0x5] =	stream.linear.gather [hbm4b:s0+s2], $0x3400, $0x38;
	[tilespmem:$0x1D400] =	vst v63  }
0x3c: {  	_ =	swait.ge [sflag:s31], $0x3400  }
0x3d: {  	[sflag:s31] =	ssyncset.done $0x0  }
0x3e: {  	[sflag:s31] =	ssyncadd.s32 $0xFFFFCC00  }
0x3f: {  	[tilespmem:s5], [sflag:$0x1] =	stream.indirect.gather [hbm4b:s3+s7], $0x80, s2, s7, $0xb8;
	[tilespmem:$0x1D400] =	vst v63  }
0x40: {  	_ = 	snop  }
0x41: {  	[tilespmem:s4], [sflag:$0x2] =	stream.indirect.gather [hbm4b:s3+s7], $0x80, s7, s7, $0xb8;
	[tilespmem:$0x1D400] =	vst v63  }
0x42: {  	_ =	swait.ge [sflag:s9], $0xD000  }
0x43: {  	[sflag:s9] =	ssyncset.done $0x0  }
0x44: {  	[sflag:s9] =	ssyncadd.s32 $0xFFFF3000  }
0x45: {  	[hbm4b:s30+s2] =	stream.linear.scatter [tilespmem:s5], [sflag:$0x3], $0xD000, $0x38;
	[tilespmem:$0x1D400] =	vst v63  }
0x46: {  	_ =	swait.ge [sflag:s6], $0xD000  }
0x47: {  	s0 =	sld [smem:$0x7F2]  }
0x48: {  	[sflag:s6] =	ssyncset.done $0x0  }
0x49: {  	[sflag:s6] =	ssyncadd.s32 $0xFFFF3000  }
0x4a: {  	[tilespmem:s5], [sflag:$0x1] =	stream.indirect.gather [hbm4b:s3+s7], $0x80, s0, s7, $0xb8;
	[tilespmem:$0x1D400] =	vst v63  }
0x4b: {  	_ =	swait.ge [sflag:s10], $0xD000  }
0x4c: {  	[sflag:s10] =	ssyncset.done $0x0  }
0x4d: {  	s0 =	rddreg [dreg:$0x4];
	[sflag:s10] =	ssyncadd.s32 $0xFFFF3000  }
0x4e: {  	[hbm4b:s0+s2] =	stream.linear.scatter [tilespmem:s4], [sflag:$0x4], $0xD000, $0x38;
	[tilespmem:$0x1D400] =	vst v63  }
0x4f: {  	_ =	swait.ge [sflag:s8], $0xD000  }
0x50: {  	s0 =	sld [smem:$0x7F3]  }
0x51: {  	[sflag:s8] =	ssyncset.done $0x0  }
0x52: {  	[sflag:s8] =	ssyncadd.s32 $0xFFFF3000  }
0x53: {  	[tilespmem:s4], [sflag:$0x2] =	stream.indirect.gather [hbm4b:s3+s7], $0x80, s0, s7, $0xb8;
	[tilespmem:$0x1D400] =	vst v63  }
0x54: {  	_ =	swait.ge [sflag:s9], $0xD000  }
0x55: {  	[sflag:s9] =	ssyncset.done $0x0  }
0x56: {  	s0 =	rddreg [dreg:$0x5];
	[sflag:s9] =	ssyncadd.s32 $0xFFFF3000  }
0x57: {  	[hbm4b:s0+s2] =	stream.linear.scatter [tilespmem:s5], [sflag:$0x3], $0xD000, $0x38;
	[tilespmem:$0x1D400] =	vst v63  }
0x58: {  	_ =	swait.ge [sflag:s6], $0xD000  }
0x59: {  	s0 =	sld [smem:$0x7F4]  }
0x5a: {  	[sflag:s6] =	ssyncset.done $0x0  }
0x5b: {  	[sflag:s6] =	ssyncadd.s32 $0xFFFF3000  }
0x5c: {  	[tilespmem:s5], [sflag:$0x1] =	stream.indirect.gather [hbm4b:s3+s7], $0x80, s0, s7, $0xb8;
	[tilespmem:$0x1D400] =	vst v63  }
0x5d: {  	_ =	swait.ge [sflag:s10], $0xD000  }
0x5e: {  	[sflag:s10] =	ssyncset.done $0x0  }
0x5f: {  	s0 =	rddreg [dreg:$0x6];
	[sflag:s10] =	ssyncadd.s32 $0xFFFF3000  }
0x60: {  	[hbm4b:s0+s2] =	stream.linear.scatter [tilespmem:s4], [sflag:$0x4], $0xD000, $0x38;
	[tilespmem:$0x1D400] =	vst v63  }
0x61: {  	_ =	swait.ge [sflag:s8], $0xD000  }
0x62: {  	s0 =	sld [smem:$0x7F5]  }
0x63: {  	[sflag:s8] =	ssyncset.done $0x0  }
0x64: {  	[sflag:s8] =	ssyncadd.s32 $0xFFFF3000  }
0x65: {  	[tilespmem:s4], [sflag:$0x2] =	stream.indirect.gather [hbm4b:s3+s7], $0x80, s0, s7, $0xb8;
	[tilespmem:$0x1D400] =	vst v63  }
0x66: {  	_ =	swait.ge [sflag:s9], $0xD000  }
0x67: {  	[sflag:s9] =	ssyncset.done $0x0  }
0x68: {  	s0 =	rddreg [dreg:$0x7];
	[sflag:s9] =	ssyncadd.s32 $0xFFFF3000  }
0x69: {  	[hbm4b:s0+s2] =	stream.linear.scatter [tilespmem:s5], [sflag:$0x3], $0xD000, $0x38;
	[tilespmem:$0x1D400] =	vst v63  }
0x6a: {  	_ =	swait.ge [sflag:s6], $0xD000  }
0x6b: {  	s0 =	sld [smem:$0x7F6]  }
0x6c: {  	[sflag:s6] =	ssyncset.done $0x0  }
0x6d: {  	[sflag:s6] =	ssyncadd.s32 $0xFFFF3000  }
0x6e: {  	[tilespmem:s5], [sflag:$0x1] =	stream.indirect.gather [hbm4b:s3+s7], $0x80, s0, s7, $0xb8;
	[tilespmem:$0x1D400] =	vst v63  }
0x6f: {  	_ =	swait.ge [sflag:s10], $0xD000  }
0x70: {  	[sflag:s10] =	ssyncset.done $0x0  }
0x71: {  	s0 =	rddreg [dreg:$0x8];
	[sflag:s10] =	ssyncadd.s32 $0xFFFF3000  }
0x72: {  	[hbm4b:s0+s2] =	stream.linear.scatter [tilespmem:s4], [sflag:$0x4], $0xD000, $0x38;
	[tilespmem:$0x1D400] =	vst v63  }
0x73: {  	_ =	swait.ge [sflag:s8], $0xD000  }
0x74: {  	s0 =	sld [smem:$0x7F7]  }
0x75: {  	[sflag:s8] =	ssyncset.done $0x0  }
0x76: {  	[sflag:s8] =	ssyncadd.s32 $0xFFFF3000  }
0x77: {  	[tilespmem:s4], [sflag:$0x2] =	stream.indirect.gather [hbm4b:s3+s7], $0x80, s0, s7, $0xb8;
	[tilespmem:$0x1D400] =	vst v63  }
0x78: {  	_ =	swait.ge [sflag:s9], $0xD000  }
0x79: {  	[sflag:s9] =	ssyncset.done $0x0  }
0x7a: {  	s0 =	rddreg [dreg:$0x9];
	[sflag:s9] =	ssyncadd.s32 $0xFFFF3000  }
0x7b: {  	[hbm4b:s0+s2] =	stream.linear.scatter [tilespmem:s5], [sflag:$0x3], $0xD000, $0x38;
	[tilespmem:$0x1D400] =	vst v63  }
0x7c: {  	_ =	swait.ge [sflag:s6], $0xD000  }
0x7d: {  	s0 =	sld [smem:$0x7F8]  }
0x7e: {  	[sflag:s6] =	ssyncset.done $0x0  }
0x7f: {  	[sflag:s6] =	ssyncadd.s32 $0xFFFF3000  }
0x80: {  	[tilespmem:s5], [sflag:$0x1] =	stream.indirect.gather [hbm4b:s3+s7], $0x80, s0, s7, $0xb8;
	[tilespmem:$0x1D400] =	vst v63  }
0x81: {  	_ =	swait.ge [sflag:s10], $0xD000  }
0x82: {  	[sflag:s10] =	ssyncset.done $0x0  }
0x83: {  	s0 =	rddreg [dreg:$0xa];
	[sflag:s10] =	ssyncadd.s32 $0xFFFF3000  }
0x84: {  	[hbm4b:s0+s2] =	stream.linear.scatter [tilespmem:s4], [sflag:$0x4], $0xD000, $0x38;
	[tilespmem:$0x1D400] =	vst v63  }
0x85: {  	_ =	swait.ge [sflag:s8], $0xD000  }
0x86: {  	s0 =	sld [smem:$0x7F9]  }
0x87: {  	[sflag:s8] =	ssyncset.done $0x0  }
0x88: {  	[sflag:s8] =	ssyncadd.s32 $0xFFFF3000  }
0x89: {  	[tilespmem:s4], [sflag:$0x2] =	stream.indirect.gather [hbm4b:s3+s7], $0x80, s0, s7, $0xb8;
	[tilespmem:$0x1D400] =	vst v63  }
0x8a: {  	_ =	swait.ge [sflag:s9], $0xD000  }
0x8b: {  	[sflag:s9] =	ssyncset.done $0x0  }
0x8c: {  	s0 =	rddreg [dreg:$0xb];
	[sflag:s9] =	ssyncadd.s32 $0xFFFF3000  }
0x8d: {  	[hbm4b:s0+s2] =	stream.linear.scatter [tilespmem:s5], [sflag:$0x3], $0xD000, $0x38;
	[tilespmem:$0x1D400] =	vst v63  }
0x8e: {  	_ =	swait.ge [sflag:s6], $0xD000  }
0x8f: {  	s0 =	sld [smem:$0x7FA]  }
0x90: {  	[sflag:s6] =	ssyncset.done $0x0  }
0x91: {  	[sflag:s6] =	ssyncadd.s32 $0xFFFF3000  }
0x92: {  	[tilespmem:s5], [sflag:$0x1] =	stream.indirect.gather [hbm4b:s3+s7], $0x80, s0, s7, $0xb8;
	[tilespmem:$0x1D400] =	vst v63  }
0x93: {  	_ =	swait.ge [sflag:s10], $0xD000  }
0x94: {  	[sflag:s10] =	ssyncset.done $0x0  }
0x95: {  	s0 =	rddreg [dreg:$0xc];
	[sflag:s10] =	ssyncadd.s32 $0xFFFF3000  }
0x96: {  	[hbm4b:s0+s2] =	stream.linear.scatter [tilespmem:s4], [sflag:$0x4], $0xD000, $0x38;
	[tilespmem:$0x1D400] =	vst v63  }
0x97: {  	_ =	swait.ge [sflag:s8], $0xD000  }
0x98: {  	s0 =	sld [smem:$0x7FB]  }
0x99: {  	[sflag:s8] =	ssyncset.done $0x0  }
0x9a: {  	[sflag:s8] =	ssyncadd.s32 $0xFFFF3000  }
0x9b: {  	[tilespmem:s4], [sflag:$0x2] =	stream.indirect.gather [hbm4b:s3+s7], $0x80, s0, s7, $0xb8;
	[tilespmem:$0x1D400] =	vst v63  }
0x9c: {  	_ =	swait.ge [sflag:s9], $0xD000  }
0x9d: {  	[sflag:s9] =	ssyncset.done $0x0  }
0x9e: {  	s0 =	rddreg [dreg:$0xd];
	[sflag:s9] =	ssyncadd.s32 $0xFFFF3000  }
0x9f: {  	[hbm4b:s0+s2] =	stream.linear.scatter [tilespmem:s5], [sflag:$0x3], $0xD000, $0x38;
	[tilespmem:$0x1D400] =	vst v63  }
0xa0: {  	_ =	swait.ge [sflag:s6], $0xD000  }
0xa1: {  	s0 =	sld [smem:$0x7FC]  }
0xa2: {  	[sflag:s6] =	ssyncset.done $0x0  }
0xa3: {  	[sflag:s6] =	ssyncadd.s32 $0xFFFF3000  }
0xa4: {  	[tilespmem:s5], [sflag:$0x1] =	stream.indirect.gather [hbm4b:s3+s7], $0x80, s0, s7, $0xb8;
	[tilespmem:$0x1D400] =	vst v63  }
0xa5: {  	_ =	swait.ge [sflag:s10], $0xD000  }
0xa6: {  	[sflag:s10] =	ssyncset.done $0x0  }
0xa7: {  	s0 =	rddreg [dreg:$0xe];
	[sflag:s10] =	ssyncadd.s32 $0xFFFF3000  }
0xa8: {  	[hbm4b:s0+s2] =	stream.linear.scatter [tilespmem:s4], [sflag:$0x4], $0xD000, $0x38;
	[tilespmem:$0x1D400] =	vst v63  }
0xa9: {  	_ =	swait.ge [sflag:s8], $0xD000  }
0xaa: {  	s0 =	sld [smem:$0x7FD]  }
0xab: {  	[sflag:s8] =	ssyncset.done $0x0  }
0xac: {  	[sflag:s8] =	ssyncadd.s32 $0xFFFF3000  }
0xad: {  	[tilespmem:s4], [sflag:$0x2] =	stream.indirect.gather [hbm4b:s3+s7], $0x80, s0, s7, $0xb8;
	[tilespmem:$0x1D400] =	vst v63  }
0xae: {  	_ =	swait.ge [sflag:s9], $0xD000  }
0xaf: {  	[sflag:s9] =	ssyncset.done $0x0  }
0xb0: {  	s0 =	rddreg [dreg:$0xf];
	[sflag:s9] =	ssyncadd.s32 $0xFFFF3000  }
0xb1: {  	[hbm4b:s0+s2] =	stream.linear.scatter [tilespmem:s5], [sflag:$0x3], $0xD000, $0x38;
	[tilespmem:$0x1D400] =	vst v63  }
0xb2: {  	_ =	swait.ge [sflag:s6], $0xD000  }
0xb3: {  	[sflag:s6] =	ssyncset.done $0x0  }
0xb4: {  	[sflag:s6] =	ssyncadd.s32 $0xFFFF3000  }
0xb5: {  	[tilespmem:s5], [sflag:$0x1] =	stream.indirect.gather [hbm4b:s3+s7], $0x80, s29, s7, $0xb8;
	[tilespmem:$0x1D400] =	vst v63  }
0xb6: {  	_ =	swait.ge [sflag:s10], $0xD000  }
0xb7: {  	[sflag:s10] =	ssyncset.done $0x0  }
0xb8: {  	s0 =	rddreg [dreg:$0x10];
	[sflag:s10] =	ssyncadd.s32 $0xFFFF3000  }
0xb9: {  	[hbm4b:s0+s2] =	stream.linear.scatter [tilespmem:s4], [sflag:$0x4], $0xD000, $0x38;
	[tilespmem:$0x1D400] =	vst v63  }
0xba: {  	_ =	swait.ge [sflag:s8], $0xD000  }
0xbb: {  	[sflag:s8] =	ssyncset.done $0x0  }
0xbc: {  	[sflag:s8] =	ssyncadd.s32 $0xFFFF3000  }
0xbd: {  	[tilespmem:s4], [sflag:$0x2] =	stream.indirect.gather [hbm4b:s3+s7], $0x80, s28, s7, $0xb8;
	[tilespmem:$0x1D400] =	vst v63  }
0xbe: {  	_ =	swait.ge [sflag:s9], $0xD000  }
0xbf: {  	[sflag:s9] =	ssyncset.done $0x0  }
0xc0: {  	s0 =	rddreg [dreg:$0x11];
	[sflag:s9] =	ssyncadd.s32 $0xFFFF3000  }
0xc1: {  	[hbm4b:s0+s2] =	stream.linear.scatter [tilespmem:s5], [sflag:$0x3], $0xD000, $0x38;
	[tilespmem:$0x1D400] =	vst v63  }
0xc2: {  	_ =	swait.ge [sflag:s6], $0xD000  }
0xc3: {  	[sflag:s6] =	ssyncset.done $0x0  }
0xc4: {  	[sflag:s6] =	ssyncadd.s32 $0xFFFF3000  }
0xc5: {  	[tilespmem:s5], [sflag:$0x1] =	stream.indirect.gather [hbm4b:s3+s7], $0x80, s26, s7, $0xb8;
	[tilespmem:$0x1D400] =	vst v63  }
0xc6: {  	_ =	swait.ge [sflag:s10], $0xD000  }
0xc7: {  	[sflag:s10] =	ssyncset.done $0x0  }
0xc8: {  	s0 =	rddreg [dreg:$0x12];
	[sflag:s10] =	ssyncadd.s32 $0xFFFF3000  }
0xc9: {  	[hbm4b:s0+s2] =	stream.linear.scatter [tilespmem:s4], [sflag:$0x4], $0xD000, $0x38;
	[tilespmem:$0x1D400] =	vst v63  }
0xca: {  	_ =	swait.ge [sflag:s8], $0xD000  }
0xcb: {  	[sflag:s8] =	ssyncset.done $0x0  }
0xcc: {  	[sflag:s8] =	ssyncadd.s32 $0xFFFF3000  }
0xcd: {  	[tilespmem:s4], [sflag:$0x2] =	stream.indirect.gather [hbm4b:s3+s7], $0x80, s25, s7, $0xb8;
	[tilespmem:$0x1D400] =	vst v63  }
0xce: {  	_ =	swait.ge [sflag:s9], $0xD000  }
0xcf: {  	[sflag:s9] =	ssyncset.done $0x0  }
0xd0: {  	s0 =	rddreg [dreg:$0x13];
	[sflag:s9] =	ssyncadd.s32 $0xFFFF3000  }
0xd1: {  	[hbm4b:s0+s2] =	stream.linear.scatter [tilespmem:s5], [sflag:$0x3], $0xD000, $0x38;
	[tilespmem:$0x1D400] =	vst v63  }
0xd2: {  	_ =	swait.ge [sflag:s6], $0xD000  }
0xd3: {  	[sflag:s6] =	ssyncset.done $0x0  }
0xd4: {  	[sflag:s6] =	ssyncadd.s32 $0xFFFF3000  }
0xd5: {  	[tilespmem:s5], [sflag:$0x1] =	stream.indirect.gather [hbm4b:s3+s7], $0x80, s24, s7, $0xb8;
	[tilespmem:$0x1D400] =	vst v63  }
0xd6: {  	_ =	swait.ge [sflag:s10], $0xD000  }
0xd7: {  	[sflag:s10] =	ssyncset.done $0x0  }
0xd8: {  	s0 =	rddreg [dreg:$0x14];
	[sflag:s10] =	ssyncadd.s32 $0xFFFF3000  }
0xd9: {  	[hbm4b:s0+s2] =	stream.linear.scatter [tilespmem:s4], [sflag:$0x4], $0xD000, $0x38;
	[tilespmem:$0x1D400] =	vst v63  }
0xda: {  	_ =	swait.ge [sflag:s8], $0xD000  }
0xdb: {  	[sflag:s8] =	ssyncset.done $0x0  }
0xdc: {  	[sflag:s8] =	ssyncadd.s32 $0xFFFF3000  }
0xdd: {  	[tilespmem:s4], [sflag:$0x2] =	stream.indirect.gather [hbm4b:s3+s7], $0x80, s23, s7, $0xb8;
	[tilespmem:$0x1D400] =	vst v63  }
0xde: {  	_ =	swait.ge [sflag:s9], $0xD000  }
0xdf: {  	[sflag:s9] =	ssyncset.done $0x0  }
0xe0: {  	s0 =	rddreg [dreg:$0x15];
	[sflag:s9] =	ssyncadd.s32 $0xFFFF3000  }
0xe1: {  	[hbm4b:s0+s2] =	stream.linear.scatter [tilespmem:s5], [sflag:$0x3], $0xD000, $0x38;
	[tilespmem:$0x1D400] =	vst v63  }
0xe2: {  	_ =	swait.ge [sflag:s6], $0xD000  }
0xe3: {  	[sflag:s6] =	ssyncset.done $0x0  }
0xe4: {  	[sflag:s6] =	ssyncadd.s32 $0xFFFF3000  }
0xe5: {  	[tilespmem:s5], [sflag:$0x1] =	stream.indirect.gather [hbm4b:s3+s7], $0x80, s22, s7, $0xb8;
	[tilespmem:$0x1D400] =	vst v63  }
0xe6: {  	_ =	swait.ge [sflag:s10], $0xD000  }
0xe7: {  	[sflag:s10] =	ssyncset.done $0x0  }
0xe8: {  	s0 =	rddreg [dreg:$0x16];
	[sflag:s10] =	ssyncadd.s32 $0xFFFF3000  }
0xe9: {  	[hbm4b:s0+s2] =	stream.linear.scatter [tilespmem:s4], [sflag:$0x4], $0xD000, $0x38;
	[tilespmem:$0x1D400] =	vst v63  }
0xea: {  	_ =	swait.ge [sflag:s8], $0xD000  }
0xeb: {  	[sflag:s8] =	ssyncset.done $0x0  }
0xec: {  	[sflag:s8] =	ssyncadd.s32 $0xFFFF3000  }
0xed: {  	[tilespmem:s4], [sflag:$0x2] =	stream.indirect.gather [hbm4b:s3+s7], $0x80, s21, s7, $0xb8;
	[tilespmem:$0x1D400] =	vst v63  }
0xee: {  	_ =	swait.ge [sflag:s9], $0xD000  }
0xef: {  	[sflag:s9] =	ssyncset.done $0x0  }
0xf0: {  	s0 =	rddreg [dreg:$0x17];
	[sflag:s9] =	ssyncadd.s32 $0xFFFF3000  }
0xf1: {  	[hbm4b:s0+s2] =	stream.linear.scatter [tilespmem:s5], [sflag:$0x3], $0xD000, $0x38;
	[tilespmem:$0x1D400] =	vst v63  }
0xf2: {  	_ =	swait.ge [sflag:s6], $0xD000  }
0xf3: {  	[sflag:s6] =	ssyncset.done $0x0  }
0xf4: {  	[sflag:s6] =	ssyncadd.s32 $0xFFFF3000  }
0xf5: {  	[tilespmem:s5], [sflag:$0x1] =	stream.indirect.gather [hbm4b:s3+s7], $0x80, s20, s7, $0xb8;
	[tilespmem:$0x1D400] =	vst v63  }
0xf6: {  	_ =	swait.ge [sflag:s10], $0xD000  }
0xf7: {  	[sflag:s10] =	ssyncset.done $0x0  }
0xf8: {  	s0 =	rddreg [dreg:$0x18];
	[sflag:s10] =	ssyncadd.s32 $0xFFFF3000  }
0xf9: {  	[hbm4b:s0+s2] =	stream.linear.scatter [tilespmem:s4], [sflag:$0x4], $0xD000, $0x38;
	[tilespmem:$0x1D400] =	vst v63  }
0xfa: {  	_ =	swait.ge [sflag:s8], $0xD000  }
0xfb: {  	[sflag:s8] =	ssyncset.done $0x0  }
0xfc: {  	[sflag:s8] =	ssyncadd.s32 $0xFFFF3000  }
0xfd: {  	[tilespmem:s4], [sflag:$0x2] =	stream.indirect.gather [hbm4b:s3+s7], $0x80, s19, s7, $0xb8;
	[tilespmem:$0x1D400] =	vst v63  }
0xfe: {  	_ =	swait.ge [sflag:s9], $0xD000  }
0xff: {  	[sflag:s9] =	ssyncset.done $0x0  }
0x100: {  	s0 =	rddreg [dreg:$0x19];
	[sflag:s9] =	ssyncadd.s32 $0xFFFF3000  }
0x101: {  	[hbm4b:s0+s2] =	stream.linear.scatter [tilespmem:s5], [sflag:$0x3], $0xD000, $0x38;
	[tilespmem:$0x1D400] =	vst v63  }
0x102: {  	_ =	swait.ge [sflag:s6], $0xD000  }
0x103: {  	[sflag:s6] =	ssyncset.done $0x0  }
0x104: {  	[sflag:s6] =	ssyncadd.s32 $0xFFFF3000  }
0x105: {  	[tilespmem:s5], [sflag:$0x1] =	stream.indirect.gather [hbm4b:s3+s7], $0x80, s18, s7, $0xb8;
	[tilespmem:$0x1D400] =	vst v63  }
0x106: {  	_ =	swait.ge [sflag:s10], $0xD000  }
0x107: {  	[sflag:s10] =	ssyncset.done $0x0  }
0x108: {  	s0 =	rddreg [dreg:$0x1a];
	[sflag:s10] =	ssyncadd.s32 $0xFFFF3000  }
0x109: {  	[hbm4b:s0+s2] =	stream.linear.scatter [tilespmem:s4], [sflag:$0x4], $0xD000, $0x38;
	[tilespmem:$0x1D400] =	vst v63  }
0x10a: {  	_ =	swait.ge [sflag:s8], $0xD000  }
0x10b: {  	[sflag:s8] =	ssyncset.done $0x0  }
0x10c: {  	[sflag:s8] =	ssyncadd.s32 $0xFFFF3000  }
0x10d: {  	[tilespmem:s4], [sflag:$0x2] =	stream.indirect.gather [hbm4b:s3+s7], $0x80, s17, s7, $0xb8;
	[tilespmem:$0x1D400] =	vst v63  }
0x10e: {  	_ =	swait.ge [sflag:s9], $0xD000  }
0x10f: {  	[sflag:s9] =	ssyncset.done $0x0  }
0x110: {  	s0 =	rddreg [dreg:$0x1b];
	[sflag:s9] =	ssyncadd.s32 $0xFFFF3000  }
0x111: {  	[hbm4b:s0+s2] =	stream.linear.scatter [tilespmem:s5], [sflag:$0x3], $0xD000, $0x38;
	[tilespmem:$0x1D400] =	vst v63  }
0x112: {  	_ =	swait.ge [sflag:s6], $0xD000  }
0x113: {  	[sflag:s6] =	ssyncset.done $0x0  }
0x114: {  	[sflag:s6] =	ssyncadd.s32 $0xFFFF3000  }
0x115: {  	[tilespmem:s5], [sflag:$0x1] =	stream.indirect.gather [hbm4b:s3+s7], $0x80, s16, s7, $0xb8;
	[tilespmem:$0x1D400] =	vst v63  }
0x116: {  	_ =	swait.ge [sflag:s10], $0xD000  }
0x117: {  	[sflag:s10] =	ssyncset.done $0x0  }
0x118: {  	s0 =	rddreg [dreg:$0x1c];
	[sflag:s10] =	ssyncadd.s32 $0xFFFF3000  }
0x119: {  	[hbm4b:s0+s2] =	stream.linear.scatter [tilespmem:s4], [sflag:$0x4], $0xD000, $0x38;
	[tilespmem:$0x1D400] =	vst v63  }
0x11a: {  	_ =	swait.ge [sflag:s8], $0xD000  }
0x11b: {  	[sflag:s8] =	ssyncset.done $0x0  }
0x11c: {  	[sflag:s8] =	ssyncadd.s32 $0xFFFF3000  }
0x11d: {  	[tilespmem:s4], [sflag:$0x2] =	stream.indirect.gather [hbm4b:s3+s7], $0x80, s15, s7, $0xb8;
	[tilespmem:$0x1D400] =	vst v63  }
0x11e: {  	_ =	swait.ge [sflag:s9], $0xD000  }
0x11f: {  	[sflag:s9] =	ssyncset.done $0x0  }
0x120: {  	s0 =	rddreg [dreg:$0x1d];
	[sflag:s9] =	ssyncadd.s32 $0xFFFF3000  }
0x121: {  	[hbm4b:s0+s2] =	stream.linear.scatter [tilespmem:s5], [sflag:$0x3], $0xD000, $0x38;
	[tilespmem:$0x1D400] =	vst v63  }
0x122: {  	_ =	swait.ge [sflag:s6], $0xD000  }
0x123: {  	[sflag:s6] =	ssyncset.done $0x0  }
0x124: {  	[sflag:s6] =	ssyncadd.s32 $0xFFFF3000  }
0x125: {  	[tilespmem:s5], [sflag:$0x1] =	stream.indirect.gather [hbm4b:s3+s7], $0x80, s14, s7, $0xb8;
	[tilespmem:$0x1D400] =	vst v63  }
0x126: {  	_ =	swait.ge [sflag:s10], $0xD000  }
0x127: {  	[sflag:s10] =	ssyncset.done $0x0  }
0x128: {  	s0 =	rddreg [dreg:$0x1e];
	[sflag:s10] =	ssyncadd.s32 $0xFFFF3000  }
0x129: {  	[hbm4b:s0+s2] =	stream.linear.scatter [tilespmem:s4], [sflag:$0x4], $0xD000, $0x38;
	[tilespmem:$0x1D400] =	vst v63  }
0x12a: {  	_ =	swait.ge [sflag:s8], $0xD000  }
0x12b: {  	[sflag:s8] =	ssyncset.done $0x0  }
0x12c: {  	[sflag:s8] =	ssyncadd.s32 $0xFFFF3000  }
0x12d: {  	[tilespmem:s4], [sflag:$0x2] =	stream.indirect.gather [hbm4b:s3+s7], $0x80, s13, s7, $0xb8;
	[tilespmem:$0x1D400] =	vst v63  }
0x12e: {  	_ =	swait.ge [sflag:s9], $0xD000  }
0x12f: {  	[sflag:s9] =	ssyncset.done $0x0  }
0x130: {  	s0 =	rddreg [dreg:$0x1f];
	[sflag:s9] =	ssyncadd.s32 $0xFFFF3000  }
0x131: {  	[hbm4b:s0+s2] =	stream.linear.scatter [tilespmem:s5], [sflag:$0x3], $0xD000, $0x38;
	[tilespmem:$0x1D400] =	vst v63  }
0x132: {  	_ =	swait.ge [sflag:s6], $0xD000  }
0x133: {  	[sflag:s6] =	ssyncset.done $0x0  }
0x134: {  	[sflag:s6] =	ssyncadd.s32 $0xFFFF3000  }
0x135: {  	[tilespmem:s5], [sflag:$0x1] =	stream.indirect.gather [hbm4b:s3+s7], $0x80, s12, s7, $0xb8;
	[tilespmem:$0x1D400] =	vst v63  }
0x136: {  	_ =	swait.ge [sflag:s10], $0xD000  }
0x137: {  	s0 =	sld [smem:$0x7EF]  }
0x138: {  	[sflag:s10] =	ssyncset.done $0x0  }
0x139: {  	[sflag:s10] =	ssyncadd.s32 $0xFFFF3000  }
0x13a: {  	[hbm4b:s0+s2] =	stream.linear.scatter [tilespmem:s4], [sflag:$0x4], $0xD000, $0x38;
	[tilespmem:$0x1D400] =	vst v63  }
0x13b: {  	_ =	swait.ge [sflag:s8], $0xD000  }
0x13c: {  	[sflag:s8] =	ssyncset.done $0x0  }
0x13d: {  	[sflag:s8] =	ssyncadd.s32 $0xFFFF3000  }
0x13e: {  	[tilespmem:s4], [sflag:$0x2] =	stream.indirect.gather [hbm4b:s3+s7], $0x80, s11, s7, $0xb8;
	[tilespmem:$0x1D400] =	vst v63  }
0x13f: {  	_ =	swait.ge [sflag:s9], $0xD000  }
0x140: {  	s0 =	sld [smem:$0x7F0]  }
0x141: {  	[sflag:s9] =	ssyncset.done $0x0  }
0x142: {  	[sflag:s9] =	ssyncadd.s32 $0xFFFF3000  }
0x143: {  	[hbm4b:s0+s2] =	stream.linear.scatter [tilespmem:s5], [sflag:$0x3], $0xD000, $0x38;
	[tilespmem:$0x1D400] =	vst v63  }
0x144: {  	_ =	swait.ge [sflag:s10], $0xD000  }
0x145: {  	s0 =	sld [smem:$0x7F1]  }
0x146: {  	[sflag:s10] =	ssyncset.done $0x0  }
0x147: {  	p1 =	sne.s32 s1, $0x1;
	[sflag:s10] =	ssyncadd.s32 $0xFFFF3000  }
0x148: {  	[hbm4b:s0+s2] =	stream.linear.scatter [tilespmem:s4], [sflag:$0x4], $0xD000, $0x38;
	[tilespmem:$0x1D400] =	vst v63  }
.Ltmp1:
0x149: {  	_ =	swait.ge [sflag:s6], $0xD000;
	(pc) =	sbr.rel @!p1 .LBB2_3-.Ltmp1, $4  }
0x14a: {  	[sflag:s6] =	ssyncset.done $0x0  }
0x14b: {  	[sflag:s6] =	ssyncadd.s32 $0xFFFF3000  }
0x14c: {  	s1 =	sadd.s32 $0xFFFFFFFF, s1;
	_ =	swait.ge [sflag:s8], $0xD000  }
0x14d: {  	p0 =	por $0x1, $0x1;
	s0 =	rddreg [dreg:$0x3];
	[sflag:s8] =	ssyncset.done $0x0  }
.LBB2_2:
0x14e: {  	[sflag:s8] =	ssyncadd.s32 $0xFFFF3000  }
0x14f: {  	[tilespmem:s2], [sflag:$0x5] =	stream.linear.gather [hbm4b:s0+s2], $0x3400, $0x38;
	[tilespmem:$0x1D400] =	vst v63  }
0x150: {  	_ =	swait.ge [sflag:s31], $0x3400  }
0x151: {  	[sflag:s31] =	ssyncset.done $0x0  }
0x152: {  	[sflag:s31] =	ssyncadd.s32 $0xFFFFCC00  }
0x153: {  	[tilespmem:s5], [sflag:$0x1] =	stream.indirect.gather [hbm4b:s3+s7], $0x80, s2, s7, $0xb8;
	[tilespmem:$0x1D400] =	vst v63  }
0x154: {  	_ = 	snop  }
0x155: {  	[tilespmem:s4], [sflag:$0x2] =	stream.indirect.gather [hbm4b:s3+s7], $0x80, s7, s7, $0xb8;
	[tilespmem:$0x1D400] =	vst v63  }
0x156: {  	_ =	swait.ge [sflag:s9], $0xD000  }
0x157: {  	[sflag:s9] =	ssyncset.done $0x0  }
0x158: {  	[sflag:s9] =	ssyncadd.s32 $0xFFFF3000  }
0x159: {  	[hbm4b:s30+s2] =	stream.linear.scatter [tilespmem:s5], [sflag:$0x3], $0xD000, $0x38;
	[tilespmem:$0x1D400] =	vst v63  }
0x15a: {  	_ =	swait.ge [sflag:s6], $0xD000  }
0x15b: {  	s0 =	sld [smem:$0x7F2]  }
0x15c: {  	[sflag:s6] =	ssyncset.done $0x0  }
0x15d: {  	[sflag:s6] =	ssyncadd.s32 $0xFFFF3000  }
0x15e: {  	[tilespmem:s5], [sflag:$0x1] =	stream.indirect.gather [hbm4b:s3+s7], $0x80, s0, s7, $0xb8;
	[tilespmem:$0x1D400] =	vst v63  }
0x15f: {  	_ =	swait.ge [sflag:s10], $0xD000  }
0x160: {  	[sflag:s10] =	ssyncset.done $0x0  }
0x161: {  	s0 =	rddreg [dreg:$0x4];
	[sflag:s10] =	ssyncadd.s32 $0xFFFF3000  }
0x162: {  	[hbm4b:s0+s2] =	stream.linear.scatter [tilespmem:s4], [sflag:$0x4], $0xD000, $0x38;
	[tilespmem:$0x1D400] =	vst v63  }
0x163: {  	_ =	swait.ge [sflag:s8], $0xD000  }
0x164: {  	s0 =	sld [smem:$0x7F3]  }
0x165: {  	[sflag:s8] =	ssyncset.done $0x0  }
0x166: {  	[sflag:s8] =	ssyncadd.s32 $0xFFFF3000  }
0x167: {  	[tilespmem:s4], [sflag:$0x2] =	stream.indirect.gather [hbm4b:s3+s7], $0x80, s0, s7, $0xb8;
	[tilespmem:$0x1D400] =	vst v63  }
0x168: {  	_ =	swait.ge [sflag:s9], $0xD000  }
0x169: {  	[sflag:s9] =	ssyncset.done $0x0  }
0x16a: {  	s0 =	rddreg [dreg:$0x5];
	[sflag:s9] =	ssyncadd.s32 $0xFFFF3000  }
0x16b: {  	[hbm4b:s0+s2] =	stream.linear.scatter [tilespmem:s5], [sflag:$0x3], $0xD000, $0x38;
	[tilespmem:$0x1D400] =	vst v63  }
0x16c: {  	_ =	swait.ge [sflag:s6], $0xD000  }
0x16d: {  	s0 =	sld [smem:$0x7F4]  }
0x16e: {  	[sflag:s6] =	ssyncset.done $0x0  }
0x16f: {  	[sflag:s6] =	ssyncadd.s32 $0xFFFF3000  }
0x170: {  	[tilespmem:s5], [sflag:$0x1] =	stream.indirect.gather [hbm4b:s3+s7], $0x80, s0, s7, $0xb8;
	[tilespmem:$0x1D400] =	vst v63  }
0x171: {  	_ =	swait.ge [sflag:s10], $0xD000  }
0x172: {  	[sflag:s10] =	ssyncset.done $0x0  }
0x173: {  	s0 =	rddreg [dreg:$0x6];
	[sflag:s10] =	ssyncadd.s32 $0xFFFF3000  }
0x174: {  	[hbm4b:s0+s2] =	stream.linear.scatter [tilespmem:s4], [sflag:$0x4], $0xD000, $0x38;
	[tilespmem:$0x1D400] =	vst v63  }
0x175: {  	_ =	swait.ge [sflag:s8], $0xD000  }
0x176: {  	s0 =	sld [smem:$0x7F5]  }
0x177: {  	[sflag:s8] =	ssyncset.done $0x0  }
0x178: {  	[sflag:s8] =	ssyncadd.s32 $0xFFFF3000  }
0x179: {  	[tilespmem:s4], [sflag:$0x2] =	stream.indirect.gather [hbm4b:s3+s7], $0x80, s0, s7, $0xb8;
	[tilespmem:$0x1D400] =	vst v63  }
0x17a: {  	_ =	swait.ge [sflag:s9], $0xD000  }
0x17b: {  	[sflag:s9] =	ssyncset.done $0x0  }
0x17c: {  	s0 =	rddreg [dreg:$0x7];
	[sflag:s9] =	ssyncadd.s32 $0xFFFF3000  }
0x17d: {  	[hbm4b:s0+s2] =	stream.linear.scatter [tilespmem:s5], [sflag:$0x3], $0xD000, $0x38;
	[tilespmem:$0x1D400] =	vst v63  }
0x17e: {  	_ =	swait.ge [sflag:s6], $0xD000  }
0x17f: {  	s0 =	sld [smem:$0x7F6]  }
0x180: {  	[sflag:s6] =	ssyncset.done $0x0  }
0x181: {  	[sflag:s6] =	ssyncadd.s32 $0xFFFF3000  }
0x182: {  	[tilespmem:s5], [sflag:$0x1] =	stream.indirect.gather [hbm4b:s3+s7], $0x80, s0, s7, $0xb8;
	[tilespmem:$0x1D400] =	vst v63  }
0x183: {  	_ =	swait.ge [sflag:s10], $0xD000  }
0x184: {  	[sflag:s10] =	ssyncset.done $0x0  }
0x185: {  	s0 =	rddreg [dreg:$0x8];
	[sflag:s10] =	ssyncadd.s32 $0xFFFF3000  }
0x186: {  	[hbm4b:s0+s2] =	stream.linear.scatter [tilespmem:s4], [sflag:$0x4], $0xD000, $0x38;
	[tilespmem:$0x1D400] =	vst v63  }
0x187: {  	_ =	swait.ge [sflag:s8], $0xD000  }
0x188: {  	s0 =	sld [smem:$0x7F7]  }
0x189: {  	[sflag:s8] =	ssyncset.done $0x0  }
0x18a: {  	[sflag:s8] =	ssyncadd.s32 $0xFFFF3000  }
0x18b: {  	[tilespmem:s4], [sflag:$0x2] =	stream.indirect.gather [hbm4b:s3+s7], $0x80, s0, s7, $0xb8;
	[tilespmem:$0x1D400] =	vst v63  }
0x18c: {  	_ =	swait.ge [sflag:s9], $0xD000  }
0x18d: {  	[sflag:s9] =	ssyncset.done $0x0  }
0x18e: {  	s0 =	rddreg [dreg:$0x9];
	[sflag:s9] =	ssyncadd.s32 $0xFFFF3000  }
0x18f: {  	[hbm4b:s0+s2] =	stream.linear.scatter [tilespmem:s5], [sflag:$0x3], $0xD000, $0x38;
	[tilespmem:$0x1D400] =	vst v63  }
0x190: {  	_ =	swait.ge [sflag:s6], $0xD000  }
0x191: {  	s0 =	sld [smem:$0x7F8]  }
0x192: {  	[sflag:s6] =	ssyncset.done $0x0  }
0x193: {  	[sflag:s6] =	ssyncadd.s32 $0xFFFF3000  }
0x194: {  	[tilespmem:s5], [sflag:$0x1] =	stream.indirect.gather [hbm4b:s3+s7], $0x80, s0, s7, $0xb8;
	[tilespmem:$0x1D400] =	vst v63  }
0x195: {  	_ =	swait.ge [sflag:s10], $0xD000  }
0x196: {  	[sflag:s10] =	ssyncset.done $0x0  }
0x197: {  	s0 =	rddreg [dreg:$0xa];
	[sflag:s10] =	ssyncadd.s32 $0xFFFF3000  }
0x198: {  	[hbm4b:s0+s2] =	stream.linear.scatter [tilespmem:s4], [sflag:$0x4], $0xD000, $0x38;
	[tilespmem:$0x1D400] =	vst v63  }
0x199: {  	_ =	swait.ge [sflag:s8], $0xD000  }
0x19a: {  	s0 =	sld [smem:$0x7F9]  }
0x19b: {  	[sflag:s8] =	ssyncset.done $0x0  }
0x19c: {  	[sflag:s8] =	ssyncadd.s32 $0xFFFF3000  }
0x19d: {  	[tilespmem:s4], [sflag:$0x2] =	stream.indirect.gather [hbm4b:s3+s7], $0x80, s0, s7, $0xb8;
	[tilespmem:$0x1D400] =	vst v63  }
0x19e: {  	_ =	swait.ge [sflag:s9], $0xD000  }
0x19f: {  	[sflag:s9] =	ssyncset.done $0x0  }
0x1a0: {  	s0 =	rddreg [dreg:$0xb];
	[sflag:s9] =	ssyncadd.s32 $0xFFFF3000  }
0x1a1: {  	[hbm4b:s0+s2] =	stream.linear.scatter [tilespmem:s5], [sflag:$0x3], $0xD000, $0x38;
	[tilespmem:$0x1D400] =	vst v63  }
0x1a2: {  	_ =	swait.ge [sflag:s6], $0xD000  }
0x1a3: {  	s0 =	sld [smem:$0x7FA]  }
0x1a4: {  	[sflag:s6] =	ssyncset.done $0x0  }
0x1a5: {  	[sflag:s6] =	ssyncadd.s32 $0xFFFF3000  }
0x1a6: {  	[tilespmem:s5], [sflag:$0x1] =	stream.indirect.gather [hbm4b:s3+s7], $0x80, s0, s7, $0xb8;
	[tilespmem:$0x1D400] =	vst v63  }
0x1a7: {  	_ =	swait.ge [sflag:s10], $0xD000  }
0x1a8: {  	[sflag:s10] =	ssyncset.done $0x0  }
0x1a9: {  	s0 =	rddreg [dreg:$0xc];
	[sflag:s10] =	ssyncadd.s32 $0xFFFF3000  }
0x1aa: {  	[hbm4b:s0+s2] =	stream.linear.scatter [tilespmem:s4], [sflag:$0x4], $0xD000, $0x38;
	[tilespmem:$0x1D400] =	vst v63  }
0x1ab: {  	_ =	swait.ge [sflag:s8], $0xD000  }
0x1ac: {  	s0 =	sld [smem:$0x7FB]  }
0x1ad: {  	[sflag:s8] =	ssyncset.done $0x0  }
0x1ae: {  	[sflag:s8] =	ssyncadd.s32 $0xFFFF3000  }
0x1af: {  	[tilespmem:s4], [sflag:$0x2] =	stream.indirect.gather [hbm4b:s3+s7], $0x80, s0, s7, $0xb8;
	[tilespmem:$0x1D400] =	vst v63  }
0x1b0: {  	_ =	swait.ge [sflag:s9], $0xD000  }
0x1b1: {  	[sflag:s9] =	ssyncset.done $0x0  }
0x1b2: {  	s0 =	rddreg [dreg:$0xd];
	[sflag:s9] =	ssyncadd.s32 $0xFFFF3000  }
0x1b3: {  	[hbm4b:s0+s2] =	stream.linear.scatter [tilespmem:s5], [sflag:$0x3], $0xD000, $0x38;
	[tilespmem:$0x1D400] =	vst v63  }
0x1b4: {  	_ =	swait.ge [sflag:s6], $0xD000  }
0x1b5: {  	s0 =	sld [smem:$0x7FC]  }
0x1b6: {  	[sflag:s6] =	ssyncset.done $0x0  }
0x1b7: {  	[sflag:s6] =	ssyncadd.s32 $0xFFFF3000  }
0x1b8: {  	[tilespmem:s5], [sflag:$0x1] =	stream.indirect.gather [hbm4b:s3+s7], $0x80, s0, s7, $0xb8;
	[tilespmem:$0x1D400] =	vst v63  }
0x1b9: {  	_ =	swait.ge [sflag:s10], $0xD000  }
0x1ba: {  	[sflag:s10] =	ssyncset.done $0x0  }
0x1bb: {  	s0 =	rddreg [dreg:$0xe];
	[sflag:s10] =	ssyncadd.s32 $0xFFFF3000  }
0x1bc: {  	[hbm4b:s0+s2] =	stream.linear.scatter [tilespmem:s4], [sflag:$0x4], $0xD000, $0x38;
	[tilespmem:$0x1D400] =	vst v63  }
0x1bd: {  	_ =	swait.ge [sflag:s8], $0xD000  }
0x1be: {  	s0 =	sld [smem:$0x7FD]  }
0x1bf: {  	[sflag:s8] =	ssyncset.done $0x0  }
0x1c0: {  	[sflag:s8] =	ssyncadd.s32 $0xFFFF3000  }
0x1c1: {  	[tilespmem:s4], [sflag:$0x2] =	stream.indirect.gather [hbm4b:s3+s7], $0x80, s0, s7, $0xb8;
	[tilespmem:$0x1D400] =	vst v63  }
0x1c2: {  	_ =	swait.ge [sflag:s9], $0xD000  }
0x1c3: {  	[sflag:s9] =	ssyncset.done $0x0  }
0x1c4: {  	s0 =	rddreg [dreg:$0xf];
	[sflag:s9] =	ssyncadd.s32 $0xFFFF3000  }
0x1c5: {  	[hbm4b:s0+s2] =	stream.linear.scatter [tilespmem:s5], [sflag:$0x3], $0xD000, $0x38;
	[tilespmem:$0x1D400] =	vst v63  }
0x1c6: {  	_ =	swait.ge [sflag:s6], $0xD000  }
0x1c7: {  	[sflag:s6] =	ssyncset.done $0x0  }
0x1c8: {  	[sflag:s6] =	ssyncadd.s32 $0xFFFF3000  }
0x1c9: {  	[tilespmem:s5], [sflag:$0x1] =	stream.indirect.gather [hbm4b:s3+s7], $0x80, s29, s7, $0xb8;
	[tilespmem:$0x1D400] =	vst v63  }
0x1ca: {  	_ =	swait.ge [sflag:s10], $0xD000  }
0x1cb: {  	[sflag:s10] =	ssyncset.done $0x0  }
0x1cc: {  	s0 =	rddreg [dreg:$0x10];
	[sflag:s10] =	ssyncadd.s32 $0xFFFF3000  }
0x1cd: {  	[hbm4b:s0+s2] =	stream.linear.scatter [tilespmem:s4], [sflag:$0x4], $0xD000, $0x38;
	[tilespmem:$0x1D400] =	vst v63  }
0x1ce: {  	_ =	swait.ge [sflag:s8], $0xD000  }
0x1cf: {  	[sflag:s8] =	ssyncset.done $0x0  }
0x1d0: {  	[sflag:s8] =	ssyncadd.s32 $0xFFFF3000  }
0x1d1: {  	[tilespmem:s4], [sflag:$0x2] =	stream.indirect.gather [hbm4b:s3+s7], $0x80, s28, s7, $0xb8;
	[tilespmem:$0x1D400] =	vst v63  }
0x1d2: {  	_ =	swait.ge [sflag:s9], $0xD000  }
0x1d3: {  	[sflag:s9] =	ssyncset.done $0x0  }
0x1d4: {  	s0 =	rddreg [dreg:$0x11];
	[sflag:s9] =	ssyncadd.s32 $0xFFFF3000  }
0x1d5: {  	[hbm4b:s0+s2] =	stream.linear.scatter [tilespmem:s5], [sflag:$0x3], $0xD000, $0x38;
	[tilespmem:$0x1D400] =	vst v63  }
0x1d6: {  	_ =	swait.ge [sflag:s6], $0xD000  }
0x1d7: {  	[sflag:s6] =	ssyncset.done $0x0  }
0x1d8: {  	[sflag:s6] =	ssyncadd.s32 $0xFFFF3000  }
0x1d9: {  	[tilespmem:s5], [sflag:$0x1] =	stream.indirect.gather [hbm4b:s3+s7], $0x80, s26, s7, $0xb8;
	[tilespmem:$0x1D400] =	vst v63  }
0x1da: {  	_ =	swait.ge [sflag:s10], $0xD000  }
0x1db: {  	[sflag:s10] =	ssyncset.done $0x0  }
0x1dc: {  	s0 =	rddreg [dreg:$0x12];
	[sflag:s10] =	ssyncadd.s32 $0xFFFF3000  }
0x1dd: {  	[hbm4b:s0+s2] =	stream.linear.scatter [tilespmem:s4], [sflag:$0x4], $0xD000, $0x38;
	[tilespmem:$0x1D400] =	vst v63  }
0x1de: {  	_ =	swait.ge [sflag:s8], $0xD000  }
0x1df: {  	[sflag:s8] =	ssyncset.done $0x0  }
0x1e0: {  	[sflag:s8] =	ssyncadd.s32 $0xFFFF3000  }
0x1e1: {  	[tilespmem:s4], [sflag:$0x2] =	stream.indirect.gather [hbm4b:s3+s7], $0x80, s25, s7, $0xb8;
	[tilespmem:$0x1D400] =	vst v63  }
0x1e2: {  	_ =	swait.ge [sflag:s9], $0xD000  }
0x1e3: {  	[sflag:s9] =	ssyncset.done $0x0  }
0x1e4: {  	s0 =	rddreg [dreg:$0x13];
	[sflag:s9] =	ssyncadd.s32 $0xFFFF3000  }
0x1e5: {  	[hbm4b:s0+s2] =	stream.linear.scatter [tilespmem:s5], [sflag:$0x3], $0xD000, $0x38;
	[tilespmem:$0x1D400] =	vst v63  }
0x1e6: {  	_ =	swait.ge [sflag:s6], $0xD000  }
0x1e7: {  	[sflag:s6] =	ssyncset.done $0x0  }
0x1e8: {  	[sflag:s6] =	ssyncadd.s32 $0xFFFF3000  }
0x1e9: {  	[tilespmem:s5], [sflag:$0x1] =	stream.indirect.gather [hbm4b:s3+s7], $0x80, s24, s7, $0xb8;
	[tilespmem:$0x1D400] =	vst v63  }
0x1ea: {  	_ =	swait.ge [sflag:s10], $0xD000  }
0x1eb: {  	[sflag:s10] =	ssyncset.done $0x0  }
0x1ec: {  	s0 =	rddreg [dreg:$0x14];
	[sflag:s10] =	ssyncadd.s32 $0xFFFF3000  }
0x1ed: {  	[hbm4b:s0+s2] =	stream.linear.scatter [tilespmem:s4], [sflag:$0x4], $0xD000, $0x38;
	[tilespmem:$0x1D400] =	vst v63  }
0x1ee: {  	_ =	swait.ge [sflag:s8], $0xD000  }
0x1ef: {  	[sflag:s8] =	ssyncset.done $0x0  }
0x1f0: {  	[sflag:s8] =	ssyncadd.s32 $0xFFFF3000  }
0x1f1: {  	[tilespmem:s4], [sflag:$0x2] =	stream.indirect.gather [hbm4b:s3+s7], $0x80, s23, s7, $0xb8;
	[tilespmem:$0x1D400] =	vst v63  }
0x1f2: {  	_ =	swait.ge [sflag:s9], $0xD000  }
0x1f3: {  	[sflag:s9] =	ssyncset.done $0x0  }
0x1f4: {  	s0 =	rddreg [dreg:$0x15];
	[sflag:s9] =	ssyncadd.s32 $0xFFFF3000  }
0x1f5: {  	[hbm4b:s0+s2] =	stream.linear.scatter [tilespmem:s5], [sflag:$0x3], $0xD000, $0x38;
	[tilespmem:$0x1D400] =	vst v63  }
0x1f6: {  	_ =	swait.ge [sflag:s6], $0xD000  }
0x1f7: {  	[sflag:s6] =	ssyncset.done $0x0  }
0x1f8: {  	[sflag:s6] =	ssyncadd.s32 $0xFFFF3000  }
0x1f9: {  	[tilespmem:s5], [sflag:$0x1] =	stream.indirect.gather [hbm4b:s3+s7], $0x80, s22, s7, $0xb8;
	[tilespmem:$0x1D400] =	vst v63  }
0x1fa: {  	_ =	swait.ge [sflag:s10], $0xD000  }
0x1fb: {  	[sflag:s10] =	ssyncset.done $0x0  }
0x1fc: {  	s0 =	rddreg [dreg:$0x16];
	[sflag:s10] =	ssyncadd.s32 $0xFFFF3000  }
0x1fd: {  	[hbm4b:s0+s2] =	stream.linear.scatter [tilespmem:s4], [sflag:$0x4], $0xD000, $0x38;
	[tilespmem:$0x1D400] =	vst v63  }
0x1fe: {  	_ =	swait.ge [sflag:s8], $0xD000  }
0x1ff: {  	[sflag:s8] =	ssyncset.done $0x0  }
0x200: {  	[sflag:s8] =	ssyncadd.s32 $0xFFFF3000  }
0x201: {  	[tilespmem:s4], [sflag:$0x2] =	stream.indirect.gather [hbm4b:s3+s7], $0x80, s21, s7, $0xb8;
	[tilespmem:$0x1D400] =	vst v63  }
0x202: {  	_ =	swait.ge [sflag:s9], $0xD000  }
0x203: {  	[sflag:s9] =	ssyncset.done $0x0  }
0x204: {  	s0 =	rddreg [dreg:$0x17];
	[sflag:s9] =	ssyncadd.s32 $0xFFFF3000  }
0x205: {  	[hbm4b:s0+s2] =	stream.linear.scatter [tilespmem:s5], [sflag:$0x3], $0xD000, $0x38;
	[tilespmem:$0x1D400] =	vst v63  }
0x206: {  	_ =	swait.ge [sflag:s6], $0xD000  }
0x207: {  	[sflag:s6] =	ssyncset.done $0x0  }
0x208: {  	[sflag:s6] =	ssyncadd.s32 $0xFFFF3000  }
0x209: {  	[tilespmem:s5], [sflag:$0x1] =	stream.indirect.gather [hbm4b:s3+s7], $0x80, s20, s7, $0xb8;
	[tilespmem:$0x1D400] =	vst v63  }
0x20a: {  	_ =	swait.ge [sflag:s10], $0xD000  }
0x20b: {  	[sflag:s10] =	ssyncset.done $0x0  }
0x20c: {  	s0 =	rddreg [dreg:$0x18];
	[sflag:s10] =	ssyncadd.s32 $0xFFFF3000  }
0x20d: {  	[hbm4b:s0+s2] =	stream.linear.scatter [tilespmem:s4], [sflag:$0x4], $0xD000, $0x38;
	[tilespmem:$0x1D400] =	vst v63  }
0x20e: {  	_ =	swait.ge [sflag:s8], $0xD000  }
0x20f: {  	[sflag:s8] =	ssyncset.done $0x0  }
0x210: {  	[sflag:s8] =	ssyncadd.s32 $0xFFFF3000  }
0x211: {  	[tilespmem:s4], [sflag:$0x2] =	stream.indirect.gather [hbm4b:s3+s7], $0x80, s19, s7, $0xb8;
	[tilespmem:$0x1D400] =	vst v63  }
0x212: {  	_ =	swait.ge [sflag:s9], $0xD000  }
0x213: {  	[sflag:s9] =	ssyncset.done $0x0  }
0x214: {  	s0 =	rddreg [dreg:$0x19];
	[sflag:s9] =	ssyncadd.s32 $0xFFFF3000  }
0x215: {  	[hbm4b:s0+s2] =	stream.linear.scatter [tilespmem:s5], [sflag:$0x3], $0xD000, $0x38;
	[tilespmem:$0x1D400] =	vst v63  }
0x216: {  	_ =	swait.ge [sflag:s6], $0xD000  }
0x217: {  	[sflag:s6] =	ssyncset.done $0x0  }
0x218: {  	[sflag:s6] =	ssyncadd.s32 $0xFFFF3000  }
0x219: {  	[tilespmem:s5], [sflag:$0x1] =	stream.indirect.gather [hbm4b:s3+s7], $0x80, s18, s7, $0xb8;
	[tilespmem:$0x1D400] =	vst v63  }
0x21a: {  	_ =	swait.ge [sflag:s10], $0xD000  }
0x21b: {  	[sflag:s10] =	ssyncset.done $0x0  }
0x21c: {  	s0 =	rddreg [dreg:$0x1a];
	[sflag:s10] =	ssyncadd.s32 $0xFFFF3000  }
0x21d: {  	[hbm4b:s0+s2] =	stream.linear.scatter [tilespmem:s4], [sflag:$0x4], $0xD000, $0x38;
	[tilespmem:$0x1D400] =	vst v63  }
0x21e: {  	_ =	swait.ge [sflag:s8], $0xD000  }
0x21f: {  	[sflag:s8] =	ssyncset.done $0x0  }
0x220: {  	[sflag:s8] =	ssyncadd.s32 $0xFFFF3000  }
0x221: {  	[tilespmem:s4], [sflag:$0x2] =	stream.indirect.gather [hbm4b:s3+s7], $0x80, s17, s7, $0xb8;
	[tilespmem:$0x1D400] =	vst v63  }
0x222: {  	_ =	swait.ge [sflag:s9], $0xD000  }
0x223: {  	[sflag:s9] =	ssyncset.done $0x0  }
0x224: {  	s0 =	rddreg [dreg:$0x1b];
	[sflag:s9] =	ssyncadd.s32 $0xFFFF3000  }
0x225: {  	[hbm4b:s0+s2] =	stream.linear.scatter [tilespmem:s5], [sflag:$0x3], $0xD000, $0x38;
	[tilespmem:$0x1D400] =	vst v63  }
0x226: {  	_ =	swait.ge [sflag:s6], $0xD000  }
0x227: {  	[sflag:s6] =	ssyncset.done $0x0  }
0x228: {  	[sflag:s6] =	ssyncadd.s32 $0xFFFF3000  }
0x229: {  	[tilespmem:s5], [sflag:$0x1] =	stream.indirect.gather [hbm4b:s3+s7], $0x80, s16, s7, $0xb8;
	[tilespmem:$0x1D400] =	vst v63  }
0x22a: {  	_ =	swait.ge [sflag:s10], $0xD000  }
0x22b: {  	[sflag:s10] =	ssyncset.done $0x0  }
0x22c: {  	s0 =	rddreg [dreg:$0x1c];
	[sflag:s10] =	ssyncadd.s32 $0xFFFF3000  }
0x22d: {  	[hbm4b:s0+s2] =	stream.linear.scatter [tilespmem:s4], [sflag:$0x4], $0xD000, $0x38;
	[tilespmem:$0x1D400] =	vst v63  }
0x22e: {  	_ =	swait.ge [sflag:s8], $0xD000  }
0x22f: {  	[sflag:s8] =	ssyncset.done $0x0  }
0x230: {  	[sflag:s8] =	ssyncadd.s32 $0xFFFF3000  }
0x231: {  	[tilespmem:s4], [sflag:$0x2] =	stream.indirect.gather [hbm4b:s3+s7], $0x80, s15, s7, $0xb8;
	[tilespmem:$0x1D400] =	vst v63  }
0x232: {  	_ =	swait.ge [sflag:s9], $0xD000  }
0x233: {  	[sflag:s9] =	ssyncset.done $0x0  }
0x234: {  	s0 =	rddreg [dreg:$0x1d];
	[sflag:s9] =	ssyncadd.s32 $0xFFFF3000  }
0x235: {  	[hbm4b:s0+s2] =	stream.linear.scatter [tilespmem:s5], [sflag:$0x3], $0xD000, $0x38;
	[tilespmem:$0x1D400] =	vst v63  }
0x236: {  	_ =	swait.ge [sflag:s6], $0xD000  }
0x237: {  	[sflag:s6] =	ssyncset.done $0x0  }
0x238: {  	[sflag:s6] =	ssyncadd.s32 $0xFFFF3000  }
0x239: {  	[tilespmem:s5], [sflag:$0x1] =	stream.indirect.gather [hbm4b:s3+s7], $0x80, s14, s7, $0xb8;
	[tilespmem:$0x1D400] =	vst v63  }
0x23a: {  	_ =	swait.ge [sflag:s10], $0xD000  }
0x23b: {  	[sflag:s10] =	ssyncset.done $0x0  }
0x23c: {  	s0 =	rddreg [dreg:$0x1e];
	[sflag:s10] =	ssyncadd.s32 $0xFFFF3000  }
0x23d: {  	[hbm4b:s0+s2] =	stream.linear.scatter [tilespmem:s4], [sflag:$0x4], $0xD000, $0x38;
	[tilespmem:$0x1D400] =	vst v63  }
0x23e: {  	_ =	swait.ge [sflag:s8], $0xD000  }
0x23f: {  	[sflag:s8] =	ssyncset.done $0x0  }
0x240: {  	[sflag:s8] =	ssyncadd.s32 $0xFFFF3000  }
0x241: {  	[tilespmem:s4], [sflag:$0x2] =	stream.indirect.gather [hbm4b:s3+s7], $0x80, s13, s7, $0xb8;
	[tilespmem:$0x1D400] =	vst v63  }
0x242: {  	_ =	swait.ge [sflag:s9], $0xD000  }
0x243: {  	[sflag:s9] =	ssyncset.done $0x0  }
0x244: {  	s0 =	rddreg [dreg:$0x1f];
	[sflag:s9] =	ssyncadd.s32 $0xFFFF3000  }
0x245: {  	[hbm4b:s0+s2] =	stream.linear.scatter [tilespmem:s5], [sflag:$0x3], $0xD000, $0x38;
	[tilespmem:$0x1D400] =	vst v63  }
0x246: {  	_ =	swait.ge [sflag:s6], $0xD000  }
0x247: {  	[sflag:s6] =	ssyncset.done $0x0  }
0x248: {  	[sflag:s6] =	ssyncadd.s32 $0xFFFF3000  }
0x249: {  	[tilespmem:s5], [sflag:$0x1] =	stream.indirect.gather [hbm4b:s3+s7], $0x80, s12, s7, $0xb8;
	[tilespmem:$0x1D400] =	vst v63  }
0x24a: {  	_ =	swait.ge [sflag:s10], $0xD000  }
0x24b: {  	s0 =	sld [smem:$0x7EF]  }
0x24c: {  	[sflag:s10] =	ssyncset.done $0x0  }
0x24d: {  	[sflag:s10] =	ssyncadd.s32 $0xFFFF3000  }
0x24e: {  	[hbm4b:s0+s2] =	stream.linear.scatter [tilespmem:s4], [sflag:$0x4], $0xD000, $0x38;
	[tilespmem:$0x1D400] =	vst v63  }
0x24f: {  	_ =	swait.ge [sflag:s8], $0xD000  }
0x250: {  	[sflag:s8] =	ssyncset.done $0x0  }
0x251: {  	[sflag:s8] =	ssyncadd.s32 $0xFFFF3000  }
0x252: {  	[tilespmem:s4], [sflag:$0x2] =	stream.indirect.gather [hbm4b:s3+s7], $0x80, s11, s7, $0xb8;
	[tilespmem:$0x1D400] =	vst v63  }
0x253: {  	_ =	swait.ge [sflag:s9], $0xD000  }
0x254: {  	s0 =	sld [smem:$0x7F0]  }
0x255: {  	[sflag:s9] =	ssyncset.done $0x0  }
0x256: {  	[sflag:s9] =	ssyncadd.s32 $0xFFFF3000  }
0x257: {  	[hbm4b:s0+s2] =	stream.linear.scatter [tilespmem:s5], [sflag:$0x3], $0xD000, $0x38;
	[tilespmem:$0x1D400] =	vst v63  }
0x258: {  	_ =	swait.ge [sflag:s10], $0xD000  }
0x259: {  	s0 =	sld [smem:$0x7F1]  }
0x25a: {  	[sflag:s10] =	ssyncset.done $0x0  }
0x25b: {  	p1 =	sne.s32 s1, $0x1;
	[sflag:s10] =	ssyncadd.s32 $0xFFFF3000  }
0x25c: {  	[hbm4b:s0+s2] =	stream.linear.scatter [tilespmem:s4], [sflag:$0x4], $0xD000, $0x38;
	[tilespmem:$0x1D400] =	vst v63  }
.Ltmp2:
0x25d: {  	_ =	swait.ge [sflag:s6], $0xD000;
	(pc) =	sbr.rel @p1 .LBB2_2-.Ltmp2, $4  }
0x25e: {  	[sflag:s6] =	ssyncset.done $0x0  }
0x25f: {  	[sflag:s6] =	ssyncadd.s32 $0xFFFF3000  }
0x260: {  	_ =	swait.ge [sflag:s8], $0xD000  }
0x261: {  	s1 =	sadd.s32 $0xFFFFFFFF, s1;
	s0 =	rddreg [dreg:$0x3];
	[sflag:s8] =	ssyncset.done $0x0  }
.LBB2_3:
0x262: {  	[sflag:s8] =	ssyncadd.s32 @p0 $0xFFFF3000  }
0x263: {  	[tilespmem:s2], [sflag:$0x5] =	stream.linear.gather [hbm4b:s0+s2], $0x3400, $0x38;
	[tilespmem:$0x1D400] =	vst v63  }
0x264: {  	_ =	swait.ge [sflag:s31], $0x3400  }
0x265: {  	[sflag:s31] =	ssyncset.done $0x0  }
0x266: {  	[sflag:s31] =	ssyncadd.s32 $0xFFFFCC00  }
0x267: {  	[tilespmem:s5], [sflag:$0x1] =	stream.indirect.gather [hbm4b:s3+s7], $0x80, s2, s7, $0xb8;
	[tilespmem:$0x1D400] =	vst v63  }
0x268: {  	_ = 	snop  }
0x269: {  	[tilespmem:s4], [sflag:$0x2] =	stream.indirect.gather [hbm4b:s3+s7], $0x80, s7, s7, $0xb8;
	[tilespmem:$0x1D400] =	vst v63  }
0x26a: {  	_ =	swait.ge [sflag:s9], $0xD000  }
0x26b: {  	[sflag:s9] =	ssyncset.done $0x0  }
0x26c: {  	[sflag:s9] =	ssyncadd.s32 $0xFFFF3000  }
0x26d: {  	[hbm4b:s30+s2] =	stream.linear.scatter [tilespmem:s5], [sflag:$0x3], $0xD000, $0x38;
	[tilespmem:$0x1D400] =	vst v63  }
0x26e: {  	_ =	swait.ge [sflag:s6], $0xD000  }
0x26f: {  	s30 =	sld [smem:$0x7F2]  }
0x270: {  	[sflag:s6] =	ssyncset.done $0x0  }
0x271: {  	[sflag:s6] =	ssyncadd.s32 $0xFFFF3000  }
0x272: {  	[tilespmem:s5], [sflag:$0x1] =	stream.indirect.gather [hbm4b:s3+s7], $0x80, s30, s7, $0xb8;
	[tilespmem:$0x1D400] =	vst v63  }
0x273: {  	_ =	swait.ge [sflag:s10], $0xD000  }
0x274: {  	[sflag:s10] =	ssyncset.done $0x0  }
0x275: {  	s31 =	rddreg [dreg:$0x4];
	[sflag:s10] =	ssyncadd.s32 $0xFFFF3000  }
0x276: {  	[hbm4b:s31+s2] =	stream.linear.scatter [tilespmem:s4], [sflag:$0x4], $0xD000, $0x38;
	[tilespmem:$0x1D400] =	vst v63  }
0x277: {  	_ =	swait.ge [sflag:s8], $0xD000  }
0x278: {  	s1 =	sld [smem:$0x7F3]  }
0x279: {  	[sflag:s8] =	ssyncset.done $0x0  }
0x27a: {  	[sflag:s8] =	ssyncadd.s32 $0xFFFF3000  }
0x27b: {  	[tilespmem:s4], [sflag:$0x2] =	stream.indirect.gather [hbm4b:s3+s7], $0x80, s1, s7, $0xb8;
	[tilespmem:$0x1D400] =	vst v63  }
0x27c: {  	_ =	swait.ge [sflag:s9], $0xD000  }
0x27d: {  	[sflag:s9] =	ssyncset.done $0x0  }
0x27e: {  	s30 =	rddreg [dreg:$0x5];
	[sflag:s9] =	ssyncadd.s32 $0xFFFF3000  }
0x27f: {  	[hbm4b:s30+s2] =	stream.linear.scatter [tilespmem:s5], [sflag:$0x3], $0xD000, $0x38;
	[tilespmem:$0x1D400] =	vst v63  }
0x280: {  	_ =	swait.ge [sflag:s6], $0xD000  }
0x281: {  	s31 =	sld [smem:$0x7F4]  }
0x282: {  	[sflag:s6] =	ssyncset.done $0x0  }
0x283: {  	[sflag:s6] =	ssyncadd.s32 $0xFFFF3000  }
0x284: {  	[tilespmem:s5], [sflag:$0x1] =	stream.indirect.gather [hbm4b:s3+s7], $0x80, s31, s7, $0xb8;
	[tilespmem:$0x1D400] =	vst v63  }
0x285: {  	_ =	swait.ge [sflag:s10], $0xD000  }
0x286: {  	[sflag:s10] =	ssyncset.done $0x0  }
0x287: {  	s1 =	rddreg [dreg:$0x6];
	[sflag:s10] =	ssyncadd.s32 $0xFFFF3000  }
0x288: {  	[hbm4b:s1+s2] =	stream.linear.scatter [tilespmem:s4], [sflag:$0x4], $0xD000, $0x38;
	[tilespmem:$0x1D400] =	vst v63  }
0x289: {  	_ =	swait.ge [sflag:s8], $0xD000  }
0x28a: {  	s30 =	sld [smem:$0x7F5]  }
0x28b: {  	[sflag:s8] =	ssyncset.done $0x0  }
0x28c: {  	[sflag:s8] =	ssyncadd.s32 $0xFFFF3000  }
0x28d: {  	[tilespmem:s4], [sflag:$0x2] =	stream.indirect.gather [hbm4b:s3+s7], $0x80, s30, s7, $0xb8;
	[tilespmem:$0x1D400] =	vst v63  }
0x28e: {  	_ =	swait.ge [sflag:s9], $0xD000  }
0x28f: {  	[sflag:s9] =	ssyncset.done $0x0  }
0x290: {  	s31 =	rddreg [dreg:$0x7];
	[sflag:s9] =	ssyncadd.s32 $0xFFFF3000  }
0x291: {  	[hbm4b:s31+s2] =	stream.linear.scatter [tilespmem:s5], [sflag:$0x3], $0xD000, $0x38;
	[tilespmem:$0x1D400] =	vst v63  }
0x292: {  	_ =	swait.ge [sflag:s6], $0xD000  }
0x293: {  	s1 =	sld [smem:$0x7F6]  }
0x294: {  	[sflag:s6] =	ssyncset.done $0x0  }
0x295: {  	[sflag:s6] =	ssyncadd.s32 $0xFFFF3000  }
0x296: {  	[tilespmem:s5], [sflag:$0x1] =	stream.indirect.gather [hbm4b:s3+s7], $0x80, s1, s7, $0xb8;
	[tilespmem:$0x1D400] =	vst v63  }
0x297: {  	_ =	swait.ge [sflag:s10], $0xD000  }
0x298: {  	[sflag:s10] =	ssyncset.done $0x0  }
0x299: {  	s30 =	rddreg [dreg:$0x8];
	[sflag:s10] =	ssyncadd.s32 $0xFFFF3000  }
0x29a: {  	[hbm4b:s30+s2] =	stream.linear.scatter [tilespmem:s4], [sflag:$0x4], $0xD000, $0x38;
	[tilespmem:$0x1D400] =	vst v63  }
0x29b: {  	_ =	swait.ge [sflag:s8], $0xD000  }
0x29c: {  	s31 =	sld [smem:$0x7F7]  }
0x29d: {  	[sflag:s8] =	ssyncset.done $0x0  }
0x29e: {  	[sflag:s8] =	ssyncadd.s32 $0xFFFF3000  }
0x29f: {  	[tilespmem:s4], [sflag:$0x2] =	stream.indirect.gather [hbm4b:s3+s7], $0x80, s31, s7, $0xb8;
	[tilespmem:$0x1D400] =	vst v63  }
0x2a0: {  	_ =	swait.ge [sflag:s9], $0xD000  }
0x2a1: {  	[sflag:s9] =	ssyncset.done $0x0  }
0x2a2: {  	s1 =	rddreg [dreg:$0x9];
	[sflag:s9] =	ssyncadd.s32 $0xFFFF3000  }
0x2a3: {  	[hbm4b:s1+s2] =	stream.linear.scatter [tilespmem:s5], [sflag:$0x3], $0xD000, $0x38;
	[tilespmem:$0x1D400] =	vst v63  }
0x2a4: {  	_ =	swait.ge [sflag:s6], $0xD000  }
0x2a5: {  	s30 =	sld [smem:$0x7F8]  }
0x2a6: {  	[sflag:s6] =	ssyncset.done $0x0  }
0x2a7: {  	[sflag:s6] =	ssyncadd.s32 $0xFFFF3000  }
0x2a8: {  	[tilespmem:s5], [sflag:$0x1] =	stream.indirect.gather [hbm4b:s3+s7], $0x80, s30, s7, $0xb8;
	[tilespmem:$0x1D400] =	vst v63  }
0x2a9: {  	_ =	swait.ge [sflag:s10], $0xD000  }
0x2aa: {  	[sflag:s10] =	ssyncset.done $0x0  }
0x2ab: {  	s31 =	rddreg [dreg:$0xa];
	[sflag:s10] =	ssyncadd.s32 $0xFFFF3000  }
0x2ac: {  	[hbm4b:s31+s2] =	stream.linear.scatter [tilespmem:s4], [sflag:$0x4], $0xD000, $0x38;
	[tilespmem:$0x1D400] =	vst v63  }
0x2ad: {  	_ =	swait.ge [sflag:s8], $0xD000  }
0x2ae: {  	s1 =	sld [smem:$0x7F9]  }
0x2af: {  	[sflag:s8] =	ssyncset.done $0x0  }
0x2b0: {  	[sflag:s8] =	ssyncadd.s32 $0xFFFF3000  }
0x2b1: {  	[tilespmem:s4], [sflag:$0x2] =	stream.indirect.gather [hbm4b:s3+s7], $0x80, s1, s7, $0xb8;
	[tilespmem:$0x1D400] =	vst v63  }
0x2b2: {  	_ =	swait.ge [sflag:s9], $0xD000  }
0x2b3: {  	[sflag:s9] =	ssyncset.done $0x0  }
0x2b4: {  	s30 =	rddreg [dreg:$0xb];
	[sflag:s9] =	ssyncadd.s32 $0xFFFF3000  }
0x2b5: {  	[hbm4b:s30+s2] =	stream.linear.scatter [tilespmem:s5], [sflag:$0x3], $0xD000, $0x38;
	[tilespmem:$0x1D400] =	vst v63  }
0x2b6: {  	_ =	swait.ge [sflag:s6], $0xD000  }
0x2b7: {  	s31 =	sld [smem:$0x7FA]  }
0x2b8: {  	[sflag:s6] =	ssyncset.done $0x0  }
0x2b9: {  	[sflag:s6] =	ssyncadd.s32 $0xFFFF3000  }
0x2ba: {  	[tilespmem:s5], [sflag:$0x1] =	stream.indirect.gather [hbm4b:s3+s7], $0x80, s31, s7, $0xb8;
	[tilespmem:$0x1D400] =	vst v63  }
0x2bb: {  	_ =	swait.ge [sflag:s10], $0xD000  }
0x2bc: {  	[sflag:s10] =	ssyncset.done $0x0  }
0x2bd: {  	s1 =	rddreg [dreg:$0xc];
	[sflag:s10] =	ssyncadd.s32 $0xFFFF3000  }
0x2be: {  	[hbm4b:s1+s2] =	stream.linear.scatter [tilespmem:s4], [sflag:$0x4], $0xD000, $0x38;
	[tilespmem:$0x1D400] =	vst v63  }
0x2bf: {  	_ =	swait.ge [sflag:s8], $0xD000  }
0x2c0: {  	s30 =	sld [smem:$0x7FB]  }
0x2c1: {  	[sflag:s8] =	ssyncset.done $0x0  }
0x2c2: {  	[sflag:s8] =	ssyncadd.s32 $0xFFFF3000  }
0x2c3: {  	[tilespmem:s4], [sflag:$0x2] =	stream.indirect.gather [hbm4b:s3+s7], $0x80, s30, s7, $0xb8;
	[tilespmem:$0x1D400] =	vst v63  }
0x2c4: {  	_ =	swait.ge [sflag:s9], $0xD000  }
0x2c5: {  	[sflag:s9] =	ssyncset.done $0x0  }
0x2c6: {  	s31 =	rddreg [dreg:$0xd];
	[sflag:s9] =	ssyncadd.s32 $0xFFFF3000  }
0x2c7: {  	[hbm4b:s31+s2] =	stream.linear.scatter [tilespmem:s5], [sflag:$0x3], $0xD000, $0x38;
	[tilespmem:$0x1D400] =	vst v63  }
0x2c8: {  	_ =	swait.ge [sflag:s6], $0xD000  }
0x2c9: {  	s1 =	sld [smem:$0x7FC]  }
0x2ca: {  	[sflag:s6] =	ssyncset.done $0x0  }
0x2cb: {  	[sflag:s6] =	ssyncadd.s32 $0xFFFF3000  }
0x2cc: {  	[tilespmem:s5], [sflag:$0x1] =	stream.indirect.gather [hbm4b:s3+s7], $0x80, s1, s7, $0xb8;
	[tilespmem:$0x1D400] =	vst v63  }
0x2cd: {  	_ =	swait.ge [sflag:s10], $0xD000  }
0x2ce: {  	[sflag:s10] =	ssyncset.done $0x0  }
0x2cf: {  	s30 =	rddreg [dreg:$0xe];
	[sflag:s10] =	ssyncadd.s32 $0xFFFF3000  }
0x2d0: {  	[hbm4b:s30+s2] =	stream.linear.scatter [tilespmem:s4], [sflag:$0x4], $0xD000, $0x38;
	[tilespmem:$0x1D400] =	vst v63  }
0x2d1: {  	_ =	swait.ge [sflag:s8], $0xD000  }
0x2d2: {  	s31 =	sld [smem:$0x7FD]  }
0x2d3: {  	[sflag:s8] =	ssyncset.done $0x0  }
0x2d4: {  	[sflag:s8] =	ssyncadd.s32 $0xFFFF3000  }
0x2d5: {  	[tilespmem:s4], [sflag:$0x2] =	stream.indirect.gather [hbm4b:s3+s7], $0x80, s31, s7, $0xb8;
	[tilespmem:$0x1D400] =	vst v63  }
0x2d6: {  	_ =	swait.ge [sflag:s9], $0xD000  }
0x2d7: {  	[sflag:s9] =	ssyncset.done $0x0  }
0x2d8: {  	s1 =	rddreg [dreg:$0xf];
	[sflag:s9] =	ssyncadd.s32 $0xFFFF3000  }
0x2d9: {  	[hbm4b:s1+s2] =	stream.linear.scatter [tilespmem:s5], [sflag:$0x3], $0xD000, $0x38;
	[tilespmem:$0x1D400] =	vst v63  }
0x2da: {  	_ =	swait.ge [sflag:s6], $0xD000  }
0x2db: {  	[sflag:s6] =	ssyncset.done $0x0  }
0x2dc: {  	[sflag:s6] =	ssyncadd.s32 $0xFFFF3000  }
0x2dd: {  	[tilespmem:s5], [sflag:$0x1] =	stream.indirect.gather [hbm4b:s3+s7], $0x80, s29, s7, $0xb8;
	[tilespmem:$0x1D400] =	vst v63  }
0x2de: {  	_ =	swait.ge [sflag:s10], $0xD000  }
0x2df: {  	[sflag:s10] =	ssyncset.done $0x0  }
0x2e0: {  	s30 =	rddreg [dreg:$0x10];
	[sflag:s10] =	ssyncadd.s32 $0xFFFF3000  }
0x2e1: {  	[hbm4b:s30+s2] =	stream.linear.scatter [tilespmem:s4], [sflag:$0x4], $0xD000, $0x38;
	[tilespmem:$0x1D400] =	vst v63  }
0x2e2: {  	_ =	swait.ge [sflag:s8], $0xD000  }
0x2e3: {  	[sflag:s8] =	ssyncset.done $0x0  }
0x2e4: {  	[sflag:s8] =	ssyncadd.s32 $0xFFFF3000  }
0x2e5: {  	[tilespmem:s4], [sflag:$0x2] =	stream.indirect.gather [hbm4b:s3+s7], $0x80, s28, s7, $0xb8;
	[tilespmem:$0x1D400] =	vst v63  }
0x2e6: {  	_ =	swait.ge [sflag:s9], $0xD000  }
0x2e7: {  	[sflag:s9] =	ssyncset.done $0x0  }
0x2e8: {  	s31 =	rddreg [dreg:$0x11];
	[sflag:s9] =	ssyncadd.s32 $0xFFFF3000  }
0x2e9: {  	[hbm4b:s31+s2] =	stream.linear.scatter [tilespmem:s5], [sflag:$0x3], $0xD000, $0x38;
	[tilespmem:$0x1D400] =	vst v63  }
0x2ea: {  	_ =	swait.ge [sflag:s6], $0xD000  }
0x2eb: {  	[sflag:s6] =	ssyncset.done $0x0  }
0x2ec: {  	[sflag:s6] =	ssyncadd.s32 $0xFFFF3000  }
0x2ed: {  	[tilespmem:s5], [sflag:$0x1] =	stream.indirect.gather [hbm4b:s3+s7], $0x80, s26, s7, $0xb8;
	[tilespmem:$0x1D400] =	vst v63  }
0x2ee: {  	_ =	swait.ge [sflag:s10], $0xD000  }
0x2ef: {  	[sflag:s10] =	ssyncset.done $0x0  }
0x2f0: {  	s1 =	rddreg [dreg:$0x12];
	[sflag:s10] =	ssyncadd.s32 $0xFFFF3000  }
0x2f1: {  	[hbm4b:s1+s2] =	stream.linear.scatter [tilespmem:s4], [sflag:$0x4], $0xD000, $0x38;
	[tilespmem:$0x1D400] =	vst v63  }
0x2f2: {  	_ =	swait.ge [sflag:s8], $0xD000  }
0x2f3: {  	[sflag:s8] =	ssyncset.done $0x0  }
0x2f4: {  	[sflag:s8] =	ssyncadd.s32 $0xFFFF3000  }
0x2f5: {  	[tilespmem:s4], [sflag:$0x2] =	stream.indirect.gather [hbm4b:s3+s7], $0x80, s25, s7, $0xb8;
	[tilespmem:$0x1D400] =	vst v63  }
0x2f6: {  	_ =	swait.ge [sflag:s9], $0xD000  }
0x2f7: {  	[sflag:s9] =	ssyncset.done $0x0  }
0x2f8: {  	s26 =	rddreg [dreg:$0x13];
	[sflag:s9] =	ssyncadd.s32 $0xFFFF3000  }
0x2f9: {  	[hbm4b:s26+s2] =	stream.linear.scatter [tilespmem:s5], [sflag:$0x3], $0xD000, $0x38;
	[tilespmem:$0x1D400] =	vst v63  }
0x2fa: {  	_ =	swait.ge [sflag:s6], $0xD000  }
0x2fb: {  	[sflag:s6] =	ssyncset.done $0x0  }
0x2fc: {  	[sflag:s6] =	ssyncadd.s32 $0xFFFF3000  }
0x2fd: {  	[tilespmem:s5], [sflag:$0x1] =	stream.indirect.gather [hbm4b:s3+s7], $0x80, s24, s7, $0xb8;
	[tilespmem:$0x1D400] =	vst v63  }
0x2fe: {  	_ =	swait.ge [sflag:s10], $0xD000  }
0x2ff: {  	[sflag:s10] =	ssyncset.done $0x0  }
0x300: {  	s28 =	rddreg [dreg:$0x14];
	[sflag:s10] =	ssyncadd.s32 $0xFFFF3000  }
0x301: {  	[hbm4b:s28+s2] =	stream.linear.scatter [tilespmem:s4], [sflag:$0x4], $0xD000, $0x38;
	[tilespmem:$0x1D400] =	vst v63  }
0x302: {  	_ =	swait.ge [sflag:s8], $0xD000  }
0x303: {  	[sflag:s8] =	ssyncset.done $0x0  }
0x304: {  	[sflag:s8] =	ssyncadd.s32 $0xFFFF3000  }
0x305: {  	[tilespmem:s4], [sflag:$0x2] =	stream.indirect.gather [hbm4b:s3+s7], $0x80, s23, s7, $0xb8;
	[tilespmem:$0x1D400] =	vst v63  }
0x306: {  	_ =	swait.ge [sflag:s9], $0xD000  }
0x307: {  	[sflag:s9] =	ssyncset.done $0x0  }
0x308: {  	s29 =	rddreg [dreg:$0x15];
	[sflag:s9] =	ssyncadd.s32 $0xFFFF3000  }
0x309: {  	[hbm4b:s29+s2] =	stream.linear.scatter [tilespmem:s5], [sflag:$0x3], $0xD000, $0x38;
	[tilespmem:$0x1D400] =	vst v63  }
0x30a: {  	_ =	swait.ge [sflag:s6], $0xD000  }
0x30b: {  	[sflag:s6] =	ssyncset.done $0x0  }
0x30c: {  	[sflag:s6] =	ssyncadd.s32 $0xFFFF3000  }
0x30d: {  	[tilespmem:s5], [sflag:$0x1] =	stream.indirect.gather [hbm4b:s3+s7], $0x80, s22, s7, $0xb8;
	[tilespmem:$0x1D400] =	vst v63  }
0x30e: {  	_ =	swait.ge [sflag:s10], $0xD000  }
0x30f: {  	[sflag:s10] =	ssyncset.done $0x0  }
0x310: {  	s30 =	rddreg [dreg:$0x16];
	[sflag:s10] =	ssyncadd.s32 $0xFFFF3000  }
0x311: {  	[hbm4b:s30+s2] =	stream.linear.scatter [tilespmem:s4], [sflag:$0x4], $0xD000, $0x38;
	[tilespmem:$0x1D400] =	vst v63  }
0x312: {  	_ =	swait.ge [sflag:s8], $0xD000  }
0x313: {  	[sflag:s8] =	ssyncset.done $0x0  }
0x314: {  	[sflag:s8] =	ssyncadd.s32 $0xFFFF3000  }
0x315: {  	[tilespmem:s4], [sflag:$0x2] =	stream.indirect.gather [hbm4b:s3+s7], $0x80, s21, s7, $0xb8;
	[tilespmem:$0x1D400] =	vst v63  }
0x316: {  	_ =	swait.ge [sflag:s9], $0xD000  }
0x317: {  	[sflag:s9] =	ssyncset.done $0x0  }
0x318: {  	s31 =	rddreg [dreg:$0x17];
	[sflag:s9] =	ssyncadd.s32 $0xFFFF3000  }
0x319: {  	[hbm4b:s31+s2] =	stream.linear.scatter [tilespmem:s5], [sflag:$0x3], $0xD000, $0x38;
	[tilespmem:$0x1D400] =	vst v63  }
0x31a: {  	_ =	swait.ge [sflag:s6], $0xD000  }
0x31b: {  	[sflag:s6] =	ssyncset.done $0x0  }
0x31c: {  	[sflag:s6] =	ssyncadd.s32 $0xFFFF3000  }
0x31d: {  	[tilespmem:s5], [sflag:$0x1] =	stream.indirect.gather [hbm4b:s3+s7], $0x80, s20, s7, $0xb8;
	[tilespmem:$0x1D400] =	vst v63  }
0x31e: {  	_ =	swait.ge [sflag:s10], $0xD000  }
0x31f: {  	[sflag:s10] =	ssyncset.done $0x0  }
0x320: {  	s1 =	rddreg [dreg:$0x18];
	[sflag:s10] =	ssyncadd.s32 $0xFFFF3000  }
0x321: {  	[hbm4b:s1+s2] =	stream.linear.scatter [tilespmem:s4], [sflag:$0x4], $0xD000, $0x38;
	[tilespmem:$0x1D400] =	vst v63  }
0x322: {  	_ =	swait.ge [sflag:s8], $0xD000  }
0x323: {  	[sflag:s8] =	ssyncset.done $0x0  }
0x324: {  	[sflag:s8] =	ssyncadd.s32 $0xFFFF3000  }
0x325: {  	[tilespmem:s4], [sflag:$0x2] =	stream.indirect.gather [hbm4b:s3+s7], $0x80, s19, s7, $0xb8;
	[tilespmem:$0x1D400] =	vst v63  }
0x326: {  	_ =	swait.ge [sflag:s9], $0xD000  }
0x327: {  	[sflag:s9] =	ssyncset.done $0x0  }
0x328: {  	s20 =	rddreg [dreg:$0x19];
	[sflag:s9] =	ssyncadd.s32 $0xFFFF3000  }
0x329: {  	[hbm4b:s20+s2] =	stream.linear.scatter [tilespmem:s5], [sflag:$0x3], $0xD000, $0x38;
	[tilespmem:$0x1D400] =	vst v63  }
0x32a: {  	_ =	swait.ge [sflag:s6], $0xD000  }
0x32b: {  	[sflag:s6] =	ssyncset.done $0x0  }
0x32c: {  	[sflag:s6] =	ssyncadd.s32 $0xFFFF3000  }
0x32d: {  	[tilespmem:s5], [sflag:$0x1] =	stream.indirect.gather [hbm4b:s3+s7], $0x80, s18, s7, $0xb8;
	[tilespmem:$0x1D400] =	vst v63  }
0x32e: {  	_ =	swait.ge [sflag:s10], $0xD000  }
0x32f: {  	[sflag:s10] =	ssyncset.done $0x0  }
0x330: {  	s21 =	rddreg [dreg:$0x1a];
	[sflag:s10] =	ssyncadd.s32 $0xFFFF3000  }
0x331: {  	[hbm4b:s21+s2] =	stream.linear.scatter [tilespmem:s4], [sflag:$0x4], $0xD000, $0x38;
	[tilespmem:$0x1D400] =	vst v63  }
0x332: {  	_ =	swait.ge [sflag:s8], $0xD000  }
0x333: {  	[sflag:s8] =	ssyncset.done $0x0  }
0x334: {  	[sflag:s8] =	ssyncadd.s32 $0xFFFF3000  }
0x335: {  	[tilespmem:s4], [sflag:$0x2] =	stream.indirect.gather [hbm4b:s3+s7], $0x80, s17, s7, $0xb8;
	[tilespmem:$0x1D400] =	vst v63  }
0x336: {  	_ =	swait.ge [sflag:s9], $0xD000  }
0x337: {  	[sflag:s9] =	ssyncset.done $0x0  }
0x338: {  	s22 =	rddreg [dreg:$0x1b];
	[sflag:s9] =	ssyncadd.s32 $0xFFFF3000  }
0x339: {  	[hbm4b:s22+s2] =	stream.linear.scatter [tilespmem:s5], [sflag:$0x3], $0xD000, $0x38;
	[tilespmem:$0x1D400] =	vst v63  }
0x33a: {  	_ =	swait.ge [sflag:s6], $0xD000  }
0x33b: {  	[sflag:s6] =	ssyncset.done $0x0  }
0x33c: {  	[sflag:s6] =	ssyncadd.s32 $0xFFFF3000  }
0x33d: {  	[tilespmem:s5], [sflag:$0x1] =	stream.indirect.gather [hbm4b:s3+s7], $0x80, s16, s7, $0xb8;
	[tilespmem:$0x1D400] =	vst v63  }
0x33e: {  	_ =	swait.ge [sflag:s10], $0xD000  }
0x33f: {  	[sflag:s10] =	ssyncset.done $0x0  }
0x340: {  	s23 =	rddreg [dreg:$0x1c];
	[sflag:s10] =	ssyncadd.s32 $0xFFFF3000  }
0x341: {  	[hbm4b:s23+s2] =	stream.linear.scatter [tilespmem:s4], [sflag:$0x4], $0xD000, $0x38;
	[tilespmem:$0x1D400] =	vst v63  }
0x342: {  	_ =	swait.ge [sflag:s8], $0xD000  }
0x343: {  	[sflag:s8] =	ssyncset.done $0x0  }
0x344: {  	[sflag:s8] =	ssyncadd.s32 $0xFFFF3000  }
0x345: {  	[tilespmem:s4], [sflag:$0x2] =	stream.indirect.gather [hbm4b:s3+s7], $0x80, s15, s7, $0xb8;
	[tilespmem:$0x1D400] =	vst v63  }
0x346: {  	_ =	swait.ge [sflag:s9], $0xD000  }
0x347: {  	[sflag:s9] =	ssyncset.done $0x0  }
0x348: {  	s24 =	rddreg [dreg:$0x1d];
	[sflag:s9] =	ssyncadd.s32 $0xFFFF3000  }
0x349: {  	[hbm4b:s24+s2] =	stream.linear.scatter [tilespmem:s5], [sflag:$0x3], $0xD000, $0x38;
	[tilespmem:$0x1D400] =	vst v63  }
0x34a: {  	_ =	swait.ge [sflag:s6], $0xD000  }
0x34b: {  	[sflag:s6] =	ssyncset.done $0x0  }
0x34c: {  	[sflag:s6] =	ssyncadd.s32 $0xFFFF3000  }
0x34d: {  	[tilespmem:s5], [sflag:$0x1] =	stream.indirect.gather [hbm4b:s3+s7], $0x80, s14, s7, $0xb8;
	[tilespmem:$0x1D400] =	vst v63  }
0x34e: {  	_ =	swait.ge [sflag:s10], $0xD000  }
0x34f: {  	[sflag:s10] =	ssyncset.done $0x0  }
0x350: {  	s25 =	rddreg [dreg:$0x1e];
	[sflag:s10] =	ssyncadd.s32 $0xFFFF3000  }
0x351: {  	[hbm4b:s25+s2] =	stream.linear.scatter [tilespmem:s4], [sflag:$0x4], $0xD000, $0x38;
	[tilespmem:$0x1D400] =	vst v63  }
0x352: {  	_ =	swait.ge [sflag:s8], $0xD000  }
0x353: {  	[sflag:s8] =	ssyncset.done $0x0  }
0x354: {  	[sflag:s8] =	ssyncadd.s32 $0xFFFF3000  }
0x355: {  	[tilespmem:s4], [sflag:$0x2] =	stream.indirect.gather [hbm4b:s3+s7], $0x80, s13, s7, $0xb8;
	[tilespmem:$0x1D400] =	vst v63  }
0x356: {  	_ =	swait.ge [sflag:s9], $0xD000  }
0x357: {  	[sflag:s9] =	ssyncset.done $0x0  }
0x358: {  	s26 =	rddreg [dreg:$0x1f];
	[sflag:s9] =	ssyncadd.s32 $0xFFFF3000  }
0x359: {  	[hbm4b:s26+s2] =	stream.linear.scatter [tilespmem:s5], [sflag:$0x3], $0xD000, $0x38;
	[tilespmem:$0x1D400] =	vst v63  }
0x35a: {  	_ =	swait.ge [sflag:s6], $0xD000  }
0x35b: {  	[sflag:s6] =	ssyncset.done $0x0  }
0x35c: {  	[sflag:s6] =	ssyncadd.s32 $0xFFFF3000  }
0x35d: {  	[tilespmem:s5], [sflag:$0x1] =	stream.indirect.gather [hbm4b:s3+s7], $0x80, s12, s7, $0xb8;
	[tilespmem:$0x1D400] =	vst v63  }
0x35e: {  	_ =	swait.ge [sflag:s10], $0xD000  }
0x35f: {  	s28 =	sld [smem:$0x7EF]  }
0x360: {  	[sflag:s10] =	ssyncset.done $0x0  }
0x361: {  	[sflag:s10] =	ssyncadd.s32 $0xFFFF3000  }
0x362: {  	[hbm4b:s28+s2] =	stream.linear.scatter [tilespmem:s4], [sflag:$0x4], $0xD000, $0x38;
	[tilespmem:$0x1D400] =	vst v63  }
0x363: {  	_ =	swait.ge [sflag:s8], $0xD000  }
0x364: {  	[sflag:s8] =	ssyncset.done $0x0  }
0x365: {  	[sflag:s8] =	ssyncadd.s32 $0xFFFF3000  }
0x366: {  	[tilespmem:s4], [sflag:$0x2] =	stream.indirect.gather [hbm4b:s3+s7], $0x80, s11, s7, $0xb8;
	[tilespmem:$0x1D400] =	vst v63  }
0x367: {  	_ =	swait.ge [sflag:s9], $0xD000  }
0x368: {  	s29 =	sld [smem:$0x7F0]  }
0x369: {  	[sflag:s9] =	ssyncset.done $0x0  }
0x36a: {  	[sflag:s9] =	ssyncadd.s32 $0xFFFF3000  }
0x36b: {  	[hbm4b:s29+s2] =	stream.linear.scatter [tilespmem:s5], [sflag:$0x3], $0xD000, $0x38;
	[tilespmem:$0x1D400] =	vst v63  }
0x36c: {  	_ =	swait.ge [sflag:s10], $0xD000  }
0x36d: {  	s30 =	sld [smem:$0x7F1]  }
0x36e: {  	[sflag:s10] =	ssyncset.done $0x0  }
0x36f: {  	[sflag:s10] =	ssyncadd.s32 $0xFFFF3000  }
0x370: {  	[hbm4b:s30+s2] =	stream.linear.scatter [tilespmem:s4], [sflag:$0x4], $0xD000, $0x38;
	[tilespmem:$0x1D400] =	vst v63  }
0x371: {  	_ =	swait.ge [sflag:s6], $0xD000  }
0x372: {  	[sflag:s6] =	ssyncset.done $0x0  }
0x373: {  	[sflag:s6] =	ssyncadd.s32 $0xFFFF3000  }
0x374: {  	_ =	swait.ge [sflag:s8], $0xD000  }
0x375: {  	[sflag:s8] =	ssyncset.done $0x0  }
0x376: {  	[sflag:s8] =	ssyncadd.s32 $0xFFFF3000  }
0x377: {  	_ =	sfence.sel $0x180000  }
0x378: {  	[bflag:$0x0] =	sbarrier.arrive $0xFFFF  }
0x379: {  	_ =	strace $0x90000047  }
0x37a: {  	s31 =	stileid.u32;
	[bflag:$0x2] =	sbarrier.arrive $0xFFFF  }
0x37b: {  	p0 =	sne.s32 s31, $0x0;
	s0 =	rddreg [dreg:$0x2]  }
0x37c: {  	s0 =	sadd.s32 @!p0 $0x100000, s0  }
0x37d: {  	[sflag:s0] =	ssyncadd.tile.s32 @!p0 $0x1;
	_ =	shalt  }
.Lfunc_end2:
_tile_overlayer_lowered:
.L_overlay_start_2:
0x37e: {  	(tag) =	ssettag $0x2  }
0x37f: {  	s0 =	rddreg [dreg:$0x0];
	s2 =	stileid.u32  }
0x380: {  	s1 =	rddreg [dreg:$0x1];
	p0 =	sne.s32 s2, $0x0  }
0x381: {  	s3 =	rddreg [dreg:$0x2];
	[bflag:$0x3] =	sbarrier.arrive $0xFFFF;
	s2 =	simm.s32 @!p0 $0x1C05  }
0x382: {  	[timem:s3], [sflag:s2] =	dma.local @!p0 [hbm:s0], s1  }
0x383: {  	s0 =	simm.s32 @!p0 $0x5  }
0x384: {  	_ =	swait.ge @!p0 [sflag:s0], s1  }
0x385: {  	s1 =	ssub.s32 @!p0 $0x0, s1;
	[sflag:s0] =	ssyncset.done @!p0 $0x0  }
0x386: {  	[sflag:s0] =	ssyncadd.s32 @!p0 s1  }
0x387: {  	[bflag:$0x3] =	sbarrier.arrive $0xFFFF  }
0x388: {  	_ =	shalt  }

// kernel: sparse-core-data-format-call.cloned.1.call-start
scs
called_computation_lowered:
.L_overlay_start_0:
0x0: {  	s2 =	sld [smem:$0x3FD9]  }
0x1: {  	s3 =	sld [smem:$0x3FFE];
	_ =	sdelay $0x1  }
0x2: {  	s1 =	srdreg.scid  }
0x3: {  	s0 =	sand.u32 $0x1, s1  }
0x4: {  	s18 =	sshll.u32 s0, $0xA;
	s2 =	sadd.s32 s3, s2  }
0x5: {  	s2 =	sadd.s32 s2, s18  }
0x6: {  	[smem:$0x3FC6] =	sst s2  }
0x7: {  	_ = 	snop  }
0x8: {  	s2 =	sld [smem:$0x3FD0];
	(tm) =	ssettm $0x1  }
0x9: {  	s19 =	sld [smem:$0x3FFB];
	_ =	sdelay $0x3  }
0xa: {  	_ =	strace s19  }
0xb: {  	s3 =	sld [smem:$0x3FFC];
	_ =	sdelay $0x3  }
0xc: {  	_ =	strace s3  }
0xd: {  	s3 =	sld [smem:$0x3FFD];
	_ =	sdelay $0x3  }
0xe: {  	_ =	strace s3  }
0xf: {  	_ =	strace $0x8FFFFFFF  }
0x10: {  	s20 =	sld [smem:$0x3FDB];
	_ =	sdelay $0x1  }
0x11: {  	s4 =	simm.s32 $_scs_section_size  }
0x12: {  	s5 =	simm.s32 $_size__tile_overlayer_lowered;
	s6 =	simm.s32 $_tile_overlayer_lowered  }
0x13: {  	s23 =	simm.s32 $0x1BFF;
	s22 =	sshll.u32 s6, $0x1;
	s3 =	sadd.s32 s4, s20  }
0x14: {  	s7 =	simm.s32 $0x0;
	s21 =	sshll.u32 s5, $0x1;
	s5 =	sadd.s32 s22, s3  }
0x15: {  	[timem:s7], [sflag:s23] =	dma.local [hbm:s5], s21  }
0x16: {  	_ =	swait.ge [sflag:s23], s21  }
0x17: {  	s4 =	ssub.s32 $0x0, s21;
	[sflag:s23] =	ssyncset.done $0x0  }
0x18: {  	[sflag:s23] =	ssyncadd.s32 s4;
	_ =	sdelay $0x1  }
0x19: {  	s24 =	simm.s32 $0x1B8B  }
0x1a: {  	_ =	swait.ge [sflag:s24], $0x1  }
0x1b: {  	[sflag:s24] =	ssyncset.done $0x0  }
0x1c: {  	s26 =	simm.s32 $0x1B8E;
	s25 =	sld [smem:$0x3FFE];
	[sflag:s24] =	ssyncadd.s32 $0xFFFFFFFF  }
0x1d: {  	s27 =	simm.s32 $execute0_lowered;
	[smem:$0x3FD2] =	sst s26  }
0x1e: {  	s5 =	sshll.u32 s27, $0x1;
	_ =	strace $0x80000049;
	[dreg:$0x1] =	wrdreg $0xFFFFFFFF  }
0x1f: {  	s28 =	simm.s32 $_size_execute0_lowered;
	s3 =	sadd.s32 s3, s5;
	[dreg:$0x0] =	wrdreg $0x0  }
0x20: {  	s5 =	sshll.u32 s28, $0x1;
	[dreg:$0x2] =	wrdreg s3  }
0x21: {  	[dreg:$0x3] =	wrdreg s5  }
0x22: {  	[dreg:$0x4] =	wrdreg $0xC0  }
0x23: {  	_ =	task [dreg:s7], $0x5FFFF  }
0x24: {  	[dreg:$0x1] =	wrdreg $0xFFFFFFFF  }
0x25: {  	[dreg:$0x0] =	wrdreg $0x60  }
0x26: {  	[dreg:$0x2] =	wrdreg s25  }
0x27: {  	[dreg:$0x3] =	wrdreg s2  }
0x28: {  	[dreg:$0x4] =	wrdreg $0x9  }
0x29: {  	_ =	task.clear_ibuf [dreg:s7], $0x5FFFF;
	_ =	strace $0x90000049  }
0x2a: {  	s29 =	simm.s32 $0x9;
	_ =	strace $0x8000004B  }
0x2b: {  	_ =	swait.ge [sflag:s29], $0x1  }
0x2c: {  	[sflag:s29] =	ssyncadd.s32 $0xFFFFFFFF  }
0x2d: {  	_ =	strace $0x9000004B  }
0x2e: {  	_ =	sfence  }
0x2f: {  	s30 =	sld [smem:$0x0];
	_ =	sdelay $0x2  }
0x30: {  	s31 =	sshll.u32 s1, $0xD;
	s1 =	sshrl.u32 s1, $0x2  }
0x31: {  	s3 =	sand.u32 $0x4000, s31;
	s1 =	sadd.s32 s1, s30  }
0x32: {  	s0 =	sor.u32 s3, s0;
	s1 =	sshll.u32 s1, $0x11  }
0x33: {  	s0 =	sor.u32 s1, s0  }
0x34: {  	s0 =	sadd.s32 $0x8F2B, s0  }
0x35: {  	[sflag:s0] =	ssyncadd.remote.s32 $0x1  }
0x36: {  	_ =	sfence.sel $0xFFFF  }
0x37: {  	[dreg:$0x0] =	wrdreg $0xFFFFFFFF;
	(pc) =	sbr.abs _section_cstart, $3  }
0x38: {  	[dreg:$0x1] =	wrdreg $0xFFFFFFFF  }
0x39: {  	_ =	task.clear_ibuf [dreg:s7], $0x2FFFF;
	_ =	strace $0x9FFFFFFF  }
0x3a: {  	(tm) =	ssettm $0x7FFFFFFF  }
0x3b: {  	_ =	shalt  }
tec
execute0_lowered:
.L_overlay_start_1:
0x0: {  	(tag) =	ssettag $0x1  }
0x1: {  	s0 =	srdreg.scid  }
0x2: {  	s1 =	sshll.u32 s0, $0x4  }
0x3: {  	s0 =	stileid.u32;
	s1 =	sand.u32 $0x10, s1  }
0x4: {  	s7 =	rddreg [dreg:$0x0];
	s1 =	sor.u32 s0, s1  }
0x5: {  	s4 =	simm.s32 $0x1;
	s8 =	simm.s32 $0x2;
	s2 =	sshll.u32 s1, $0x7  }
0x6: {  	s13 =	simm.s32 $0x0;
	s9 =	simm.s32 $0x20000;
	s1 =	ssub.s32 $0x4000, s2  }
0x7: {  	s14 =	simm.s32 $0x0;
	s11 =	simm.s32 $0x0;
	s3 =	sand.u32 $0xF80, s1  }
0x8: {  	s12 =	simm.s32 $0x0;
	s5 =	sshrl.u32 s1, $0xC;
	p0 =	sne.s32 s3, $0x0  }
.Ltmp0:
0x9: {  	s1 =	rddreg [dreg:$0x2];
	s4 =	simm.s32 @!p0 $0x0;
	(pc) =	sbr.rel .LBB1_1-.Ltmp0, $4  }
0xa: {  	s6 =	sadd.s32 $0xA00, s7;
	s3 =	rddreg [dreg:$0x1];
	s5 =	sadd.s32 s4, s5  }
0xb: {  	_ =	strace $0x8000004A;
	s4 =	simm.s32 $0x1;
	s5 =	smul.u32 $0xD, s5  }
0xc: {  	s7 =	sadd.s32 $0x40A00, s7;
	s10 =	smov.u32 s2;
	[sflag:s4] =	ssyncpa.u1 $0x0  }
0xd: {  	p0 =	por $0x0, $0x0;
	[sflag:s8] =	ssyncpa.u1 $0x0;
	s8 =	sadd.s32 $0x1, s5  }
.LBB1_7:
0xe: {  	s15 =	sadd.s32 $0x1000, s10  }
0xf: {  	s13 =	sadd.s32 $0x2, s11;
	s17 =	smov.u32 s11;
	p2 =	sgt.s32 s15, $0x3FFF  }
0x10: {  	s17 =	smov.u32 @p2 s13  }
0x11: {  	s15 =	smov.u32 @p2 s2;
	p2 =	sgt.s32 s17, $0x19  }
0x12: {  	s17 =	simm.s32 @p2 $0x0;
	p2 =	sne.s32 s12, s8  }
.Ltmp1:
0x13: {  	p1 =	slt.u32 s12, $0x2;
	(pc) =	sbr.rel @!p2 .LBB1_8-.Ltmp1, $4  }
0x14: {  	s16 =	simm.s32 @!p1 $0x2  }
0x15: {  	s14 =	smov.u32 s11;
	p0 =	por !p0, !p0;
	_ =	swait.ge @!p1 [sflag:s16], $0x4000  }
0x16: {  	s13 =	smov.u32 s10;
	[sflag:s16] =	ssyncset.done @!p1 $0x0;
	s10 =	smov.u32 s15  }
0x17: {  	s12 =	sadd.s32 $0x1, s12;
	[sflag:s16] =	ssyncadd.s32 @!p1 $0xFFFFC000;
	s11 =	smov.u32 s17  }
.LBB1_1:
0x18: {  	p1 =	sge.u32 s12, s5  }
0x19: {  	s15 =	sxor.u32 @!p1 $0xFFFFFFFF, s12;
	s16 =	sshll.u32 @!p1 s11, $0x12  }
0x1a: {  	s17 =	sshll.u32 @!p1 s10, $0x4;
	s19 =	simm.s32 @!p1 $0x40;
	s20 =	simm.s32 @!p1 $0x80  }
0x1b: {  	s15 =	sshll.u32 @!p1 s15, $0xE;
	s17 =	sand.u32 @!p1 $0x3FFF0, s17;
	s18 =	sadd.s32 @!p1 s6, s16  }
0x1c: {  	s16 =	sadd.s32 @!p1 s16, s7;
	s15 =	sand.u32 @!p1 $0x4000, s15;
	s18 =	sadd.s32 @!p1 s17, s18  }
0x1d: {  	[tilespmem:s15], [sflag:$0x1] =	stream.strided.gather @!p1 [hbm4b:s18+s19], $0x2000, s20, s19, $0x38;
	[tilespmem:$0x10100] =	vst v63  }
0x1e: {  	s31 =	sadd.s32 $0xFFFFFFFF, s12;
	s16 =	sadd.s32 @!p1 s17, s16;
	s15 =	sor.u32 @!p1 $0x2000, s15  }
0x1f: {  	[tilespmem:s15], [sflag:$0x1] =	stream.strided.gather @!p1 [hbm4b:s16+s19], $0x2000, s20, s19, $0x38;
	[tilespmem:$0x10100] =	vst v63  }
0x20: {  	p1 =	sge.u32 s31, s5  }
.Ltmp2:
0x21: {  	_ = 	snop;
	(pc) =	sbr.rel @p1 .LBB1_7-.Ltmp2, $1  }
0x22: {  	_ =	sdelay $0x3  }
0x23: {  	s15 =	simm.s32 $0x1;
	s17 =	sand.u32 $0x1, s12  }
0x24: {  	_ =	swait.ge [sflag:s4], $0x4000;
	s15 =	simm.s32 @!p0 $0x0;
	s17 =	smul.u32 $0x10200, s17  }
0x25: {  	p2 =	por $0x1, $0x1;
	[sflag:s4] =	ssyncset.done $0x0;
	s16 =	smul.u32 $0x10200, s15  }
0x26: {  	s18 =	sshll.u32 s15, $0x10;
	[sflag:s4] =	ssyncadd.s32 $0xFFFFC000;
	s30 =	sshrl.u32 s17, $0x2  }
0x27: {  	s31 =	sshrl.u32 s18, $0x2;
	s18 =	simm.s32 $0x0;
	s16 =	sshrl.u32 s16, $0x2  }
0x28: {  	s15 =	sor.u32 $0x8000, s30;
	s17 =	sadd.s32 $0x20, s31;
	s16 =	sor.u32 $0x8000, s16  }
.LBB1_3:
0x29: {  	s19 =	sshll.u32 s18, $0xD  }
0x2a: {  	s19 =	sand.u32 $0x3FFFE000, s19  }
0x2b: {  	s21 =	sadd.s32 s19, s17  }
0x2c: {  	s31 =	smul.u32 $0x8100, s18;
	v3 =	vld [tilespmem:s21+$0x10]  }
0x2d: {  	v1 =	vld [tilespmem:s21+$0xFFFFFFF0]  }
0x2e: {  	s18 =	sshra.s32 s31, $0x2;
	v0 =	vld [tilespmem:s21+$0x0]  }
0x2f: {  	s18 =	sadd.s32 s18, s16;
	v2 =	vld [tilespmem:s21+$0xFFFFFFE0]  }
0x30: {  	s19 =	sadd.s32 $0x0, s18  }
0x31: {  	p1 =	por p2, p2;
	s20 =	simm.s32 $0x4;
	s21 =	sadd.s32 $0x40, s21;
	[tilespmem:s19+$0x1830 ss:$0x81] =	vst.msk $0xffff, v3  }
.LBB1_4:
0x32: {  	v3 =	vld [tilespmem:s21+$0x10];
	p2 =	sne.s32 s20, $0x1FC;
	[tilespmem:s19+$0x810 ss:$0x81] =	vst.msk $0xffff, v1;
	s22 =	smov.u32 s20;
	s20 =	sadd.s32 $0x4, s20  }
.Ltmp3:
0x33: {  	v1 =	vld [tilespmem:s21+$0xFFFFFFF0];
	[tilespmem:s19+$0x1020 ss:$0x81] =	vst.msk $0xffff, v0;
	(pc) =	sbr.rel @p2 .LBB1_4-.Ltmp3, $4  }
0x34: {  	v0 =	vld [tilespmem:s21+$0x0];
	[tilespmem:s19+$0x0 ss:$0x81] =	vst.msk $0xffff, v2  }
0x35: {  	s19 =	sshra.s32 s22, $0x2;
	v2 =	vld [tilespmem:s21+$0xFFFFFFE0]  }
0x36: {  	s19 =	sadd.s32 s19, s18  }
0x37: {  	s21 =	sadd.s32 $0x40, s21;
	[tilespmem:s19+$0x1830 ss:$0x81] =	vst.msk $0xffff, v3  }
.Ltmp4:
0x38: {  	(pc) =	sbr.rel @p1 .LBB1_3-.Ltmp4, $4  }
0x39: {  	_ = 	snop  }
0x3a: {  	[tilespmem:s19+$0x810 ss:$0x81] =	vst.msk $0xffff, v1  }
0x3b: {  	[tilespmem:s19+$0x1020 ss:$0x81] =	vst.msk $0xffff, v0  }
0x3c: {  	s18 =	simm.s32 $0x1;
	p2 =	por $0x0, $0x0;
	[tilespmem:s19+$0x0 ss:$0x81] =	vst.msk $0xffff, v2  }
0x3d: {  	s16 =	sshll.u32 s13, $0x3;
	s17 =	sand.u32 $0x78, s13;
	s14 =	sshll.u32 s14, $0x11  }
.Ltmp5:
0x3e: {  	s30 =	sand.u32 $0x1F800, s13;
	s16 =	sand.u32 $0x3C00, s16;
	(pc) =	sbr.rel .LBB1_7-.Ltmp5, $4  }
0x3f: {  	s31 =	sand.u32 $0x7, s13;
	s14 =	sadd.s32 s3, s14;
	s16 =	sor.u32 s17, s16  }
0x40: {  	s13 =	sshll.u32 s31, $0x12;
	s14 =	sadd.s32 s30, s14;
	s16 =	sshrl.u32 s16, $0x3  }
0x41: {  	s13 =	sor.u32 $0x400, s13;
	s14 =	sadd.s32 s16, s14  }
0x42: {  	[hbm4b:s14+s13] =	stream.strided.scatter [tilespmem:s15], [sflag:$0x2], $0x4000, s9, s13, $0x20;
	[tilespmem:$0x10100] =	vst v63  }
.LBB1_8:
0x43: {  	_ =	sfence.sel $0x180000  }
0x44: {  	s2 =	simm.s32 $0x1;
	[bflag:$0x0] =	sbarrier.arrive $0xFFFF  }
0x45: {  	s31 =	simm.s32 $0x2;
	[sflag:s2] =	ssyncpa.u1 $0x1  }
0x46: {  	[sflag:s31] =	ssyncpa.u1 $0x1  }
0x47: {  	p0 =	sne.s32 s0, $0x0;
	_ =	strace $0x9000004A  }
0x48: {  	s0 =	sadd.s32 @!p0 $0x100000, s1;
	[bflag:$0x2] =	sbarrier.arrive $0xFFFF  }
0x49: {  	[sflag:s0] =	ssyncadd.tile.s32 @!p0 $0x1;
	_ =	shalt  }
.Lfunc_end1:
_tile_overlayer_lowered:
.L_overlay_start_2:
0x4a: {  	(tag) =	ssettag $0x2  }
0x4b: {  	s0 =	rddreg [dreg:$0x0];
	s2 =	stileid.u32  }
0x4c: {  	s1 =	rddreg [dreg:$0x1];
	p0 =	sne.s32 s2, $0x0  }
0x4d: {  	s3 =	rddreg [dreg:$0x2];
	[bflag:$0x3] =	sbarrier.arrive $0xFFFF;
	s2 =	simm.s32 @!p0 $0x1C01  }
0x4e: {  	[timem:s3], [sflag:s2] =	dma.local @!p0 [hbm:s0], s1  }
0x4f: {  	s0 =	simm.s32 @!p0 $0x1  }
0x50: {  	_ =	swait.ge @!p0 [sflag:s0], s1  }
0x51: {  	s1 =	ssub.s32 @!p0 $0x0, s1;
	[sflag:s0] =	ssyncset.done @!p0 $0x0  }
0x52: {  	[sflag:s0] =	ssyncadd.s32 @!p0 s1  }
0x53: {  	[bflag:$0x3] =	sbarrier.arrive $0xFFFF  }
0x54: {  	_ =	shalt  }

</sc_bundles>
